<compile_context>
chip_gen: v7x
topology: tpu7x:2x2x1
jax: 0.10.2.dev20260603
libtpu: 0.0.44.dev20260713+nightly
codegen_flags: <defaults>
</compile_context>

<pallas_src>
import jax
import jax.numpy as jnp
from jax import lax
from jax.experimental import pallas as pl
from jax.experimental.pallas import tpu as pltpu
from jax.experimental.pallas import tpu_sc as plsc

MARGIN = 2.0
K_MARGIN = 0.02
N = 16384
D_FEAT = 64
G = 256
TW = 16

C_POS = 512
NC_POS = N // C_POS

BI2 = 512
CJB = 256
NB2 = N // BI2
NP = N + CJB

SC_NC = 2
SC_NS = 16
SC_NW = SC_NC * SC_NS
SC_CH = N // SC_NW
SC_JB = 128


def _dot_body(zr_ref, zv_ref, v_ref, g_ref, d_ref, tab_ref):
    d = 1.0 - jnp.sum(zr_ref[...] * zv_ref[...], axis=1, keepdims=True)
    d_ref[...] = d
    vf = v_ref[...].astype(jnp.float32)
    gf = g_ref[...].astype(jnp.float32)
    blk = d.shape[0]
    pad = jnp.zeros((blk, TW - 3), jnp.float32)
    tab_ref[...] = jnp.concatenate([vf, gf, d, pad], axis=1)


def _dot_call(z_r, z_v, v_col, g_col):
    blk = 1024
    return pl.pallas_call(
        _dot_body,
        grid=(N // blk,),
        in_specs=[
            pl.BlockSpec((blk, D_FEAT), lambda b: (b, 0)),
            pl.BlockSpec((blk, D_FEAT), lambda b: (b, 0)),
            pl.BlockSpec((blk, 1), lambda b: (b, 0)),
            pl.BlockSpec((blk, 1), lambda b: (b, 0)),
        ],
        out_specs=[
            pl.BlockSpec((blk, 1), lambda b: (b, 0)),
            pl.BlockSpec((blk, TW), lambda b: (b, 0)),
        ],
        out_shape=[
            jax.ShapeDtypeStruct((N, 1), jnp.float32),
            jax.ShapeDtypeStruct((N, TW), jnp.float32),
        ],
    )(z_r, z_v, v_col, g_col)


def _mm(x, y):
    return lax.dot_general(
        x, y, (((1,), (0,)), ((), ())), preferred_element_type=jnp.float32
    )


def _mm_hi(x, y):
    return lax.dot_general(
        x, y, (((1,), (0,)), ((), ())),
        preferred_element_type=jnp.float32,
        precision=lax.Precision.HIGHEST,
    )


def _pos_body(gcol, vcol, grow, vrow, pos_out, ge_out, rc_out, htT, hcT, hist):
    iota_row = lax.broadcasted_iota(jnp.int32, (1, G), 1)
    iota_col = lax.broadcasted_iota(jnp.int32, (G, 1), 0)

    def mats(c):
        gc = gcol[pl.ds(c * C_POS, C_POS), :]
        vc = vcol[pl.ds(c * C_POS, C_POS), :]
        gr = grow[:, pl.ds(c * C_POS, C_POS)]
        vr = vrow[:, pl.ds(c * C_POS, C_POS)]
        a = (gc == iota_row).astype(jnp.float32)
        b = (vc == iota_row).astype(jnp.float32)
        bT = (iota_col == vr).astype(jnp.float32)
        return gc, vc, gr, vr, a, b, bT

    htT[...] = jnp.zeros((G, G), jnp.float32)

    def l1(c, _):
        _, _, _, _, a, _, bT = mats(c)
        h = _mm(bT, a)
        hist[pl.ds(c * G, G), :] = h
        htT[...] += h
        return 0

    lax.fori_loop(0, NC_POS, l1, 0)

    ht = htT[...]
    slv = (iota_col > iota_row).astype(jnp.float32)
    sug = (iota_col < iota_row).astype(jnp.float32)
    rowcumT = _mm_hi(slv, ht)
    t_row = jnp.sum(ht, axis=0, keepdims=True)
    texT = _mm_hi(t_row, sug)
    offT = texT + rowcumT
    ge_out[...] = (texT + t_row).astype(jnp.int32)
    sumsq = jnp.sum(ht * ht, axis=0, keepdims=True)
    rc_out[...] = (t_row * t_row - sumsq) * 0.5

    hcT[...] = jnp.zeros((G, G), jnp.float32)
    iota_i = lax.broadcasted_iota(jnp.int32, (C_POS, 1), 0)
    iota_j = lax.broadcasted_iota(jnp.int32, (1, C_POS), 1)

    def l2(c, _):
        gc, vc, gr, vr, a, b, bT = mats(c)
        tcT = offT + hcT[...]
        tc_hi = jnp.floor(tcT * (1.0 / 128.0))
        tc_lo = tcT - tc_hi * 128.0
        m = _mm(b, tc_hi) * 128.0 + _mm(b, tc_lo)
        lookup = jnp.sum(a * m, axis=1, keepdims=True)
        meq = (gc == gr) & (vc == vr) & (iota_j < iota_i)
        r = jnp.sum(meq.astype(jnp.float32), axis=1, keepdims=True)
        pos_out[pl.ds(c * C_POS, C_POS), :] = (lookup + r).astype(jnp.int32)
        hcT[...] += hist[pl.ds(c * G, G), :]
        return 0

    lax.fori_loop(0, NC_POS, l2, 0)


def _pos_call(g_col, v_col, g_row, v_row):
    return pl.pallas_call(
        _pos_body,
        in_specs=[
            pl.BlockSpec((N, 1), lambda: (0, 0)),
            pl.BlockSpec((N, 1), lambda: (0, 0)),
            pl.BlockSpec((1, N), lambda: (0, 0)),
            pl.BlockSpec((1, N), lambda: (0, 0)),
        ],
        out_specs=[
            pl.BlockSpec((N, 1), lambda: (0, 0)),
            pl.BlockSpec((1, G), lambda: (0, 0)),
            pl.BlockSpec((1, G), lambda: (0, 0)),
        ],
        out_shape=[
            jax.ShapeDtypeStruct((N, 1), jnp.int32),
            jax.ShapeDtypeStruct((1, G), jnp.int32),
            jax.ShapeDtypeStruct((1, G), jnp.float32),
        ],
        scratch_shapes=[
            pltpu.VMEM((G, G), jnp.float32),
            pltpu.VMEM((G, G), jnp.float32),
            pltpu.VMEM((NC_POS * G, G), jnp.float32),
        ],
    )(g_col, v_col, g_row, v_row)


def _sc_scatter_body(tab_hbm, pos_hbm, out_hbm, tab_v, pos_v):
    wid = lax.axis_index("s") * SC_NC + lax.axis_index("c")
    base = wid * SC_CH
    pltpu.sync_copy(tab_hbm.at[pl.ds(base, SC_CH)], tab_v)
    pltpu.sync_copy(pos_hbm.at[wid], pos_v)
    for j in range(SC_CH // SC_JB):
        pltpu.sync_copy(
            tab_v.at[pl.ds(j * SC_JB, SC_JB)], out_hbm.at[pos_v.at[j]]
        )


def _sc_scatter(tab, pos3):
    k = pl.kernel(
        _sc_scatter_body,
        out_type=jax.ShapeDtypeStruct((N, TW), jnp.float32),
        mesh=plsc.VectorSubcoreMesh(core_axis_name="c", subcore_axis_name="s"),
        scratch_types=[
            pltpu.VMEM((SC_CH, TW), jnp.float32),
            pltpu.VMEM((SC_CH // SC_JB, SC_JB), jnp.int32),
        ],
        compiler_params=pltpu.CompilerParams(
            needs_layout_passes=False, use_tc_tiling_on_sc=False
        ),
    )
    return k(tab, pos3)


def _pair2_body(ge_smem, vrow, grow, drow, vcol, gcol, dcol, sum_out):
    b = pl.program_id(0)
    base = b * BI2
    gi = grow[...]
    vi = vrow[...]
    di = drow[...]
    gmax = jnp.max(gi).astype(jnp.int32)
    jend = ge_smem[gmax]
    nch = (jend - base + CJB - 1) // CJB
    dik = di + K_MARGIN

    def body(c, s):
        st = base + c * CJB
        vj = vcol[pl.ds(st, CJB), :]
        gj = gcol[pl.ds(st, CJB), :]
        dj = dcol[pl.ds(st, CJB), :]
        mrank = (gj == gi) & (vj > vi)
        val = jnp.maximum(dik - dj, 0.0)
        return s + jnp.sum(jnp.where(mrank, val, 0.0), axis=0, keepdims=True)

    s = lax.fori_loop(0, nch, body, jnp.zeros((1, BI2), jnp.float32))
    sum_out[...] = s


def _pair2_call(ge, vs_row, gs_row, ds_row, vs_colp, gs_colp, ds_colp):
    row = lambda: pl.BlockSpec((1, BI2), lambda b: (0, b))
    col = lambda: pl.BlockSpec((NP, 1), lambda b: (0, 0))
    return pl.pallas_call(
        _pair2_body,
        grid=(NB2,),
        in_specs=[
            pl.BlockSpec(memory_space=pltpu.SMEM),
            row(), row(), row(), col(), col(), col(),
        ],
        out_specs=row(),
        out_shape=jax.ShapeDtypeStruct((1, N), jnp.float32),
    )(ge, vs_row, gs_row, ds_row, vs_colp, gs_colp, ds_colp)


def _final_body(lab, drow, vs, gs, ds, rsum, rc_row, gs_col, cdd_out, pcc_out):
    labf = lab[...]
    d = drow[...]

    mb = (labf == 0).astype(jnp.float32)
    mp = (labf == 1).astype(jnp.float32)
    cb = jnp.sum(mb)
    cp = jnp.sum(mp)
    mean_b = jnp.sum(mb * d) / jnp.maximum(cb, 1.0)
    mean_p = jnp.sum(mp * d) / jnp.maximum(cp, 1.0)
    l_cdd = jnp.where(
        (cb > 0) & (cp > 0), jnp.maximum(MARGIN + mean_b - mean_p, 0.0), 0.0
    )
    cdd_out[...] = jnp.reshape(l_cdd, (1, 1))

    v = vs[...]
    g = gs[...]
    dsv = ds[...]
    pad1 = jnp.full((1, 1), -1.0, jnp.float32)
    g_next = jnp.concatenate([g[:, 1:], pad1], axis=1)
    d_next = jnp.concatenate([dsv[:, 1:], pad1], axis=1)
    neigh = jnp.where(
        g_next == g, jnp.maximum(dsv - d_next + K_MARGIN, 0.0), 0.0
    )

    ones = jnp.ones((1, N), jnp.float32)
    feats = jnp.concatenate(
        [ones, v, dsv, v * v, dsv * dsv, v * dsv, rsum[...], neigh],
        axis=0,
    )
    onehot = (gs_col[...] == lax.broadcasted_iota(jnp.int32, (1, G), 1)).astype(
        jnp.float32
    )
    seg = lax.dot_general(
        feats, onehot, (((1,), (0,)), ((), ())),
        preferred_element_type=jnp.float32,
        precision=lax.Precision.HIGHEST,
    )

    n = seg[0:1, :]
    sv = seg[1:2, :]
    sd = seg[2:3, :]
    sv2 = seg[3:4, :]
    sd2 = seg[4:5, :]
    svd = seg[5:6, :]
    rs = seg[6:7, :]
    nv = seg[7:8, :]
    rc = rc_row[...]

    dn = jnp.maximum(n, 1.0)
    dn1 = jnp.maximum(n - 1.0, 1.0)
    mv = sv / dn
    md = sd / dn
    ssv = jnp.maximum(sv2 - n * mv * mv, 0.0)
    ssd = jnp.maximum(sd2 - n * md * md, 0.0)
    cvd = svd - n * mv * md
    stdv = jnp.sqrt(ssv / dn1)
    stdd = jnp.sqrt(ssd / dn1)
    e = 1e-6
    iv = 1.0 / (stdv + e)
    id_ = 1.0 / (stdd + e)
    corr_mean = (ssv * iv * iv - 2.0 * cvd * iv * id_ + ssd * id_ * id_) / dn
    corr_loss = jnp.where((stdv > 0) & (stdd > 0), corr_mean, 0.0)

    neigh_viol = nv / dn1
    rank_loss = jnp.where(rc > 0, rs / jnp.maximum(rc, 1.0), 0.0)

    group_loss = corr_loss + neigh_viol + rank_loss
    valid = n >= 2.0
    sizes = jnp.where(valid, n, 0.0)
    total = jnp.sum(sizes)
    weights = sizes / jnp.maximum(total, 1.0)
    l_pcc = jnp.where(
        total > 0, jnp.sum(jnp.where(valid, weights * group_loss, 0.0)), 0.0
    )
    pcc_out[...] = jnp.reshape(l_pcc, (1, 1))


def _final_call(lab_row, d_row, vs_row, gs_row, ds_row, rsum_row, rc_row, gs_col):
    row_i = pl.BlockSpec((1, N), lambda: (0, 0))
    return pl.pallas_call(
        _final_body,
        in_specs=[row_i, row_i, row_i, row_i, row_i, row_i,
                  pl.BlockSpec((1, G), lambda: (0, 0)),
                  pl.BlockSpec((N, 1), lambda: (0, 0))],
        out_specs=[pl.BlockSpec((1, 1), lambda: (0, 0)),
                   pl.BlockSpec((1, 1), lambda: (0, 0))],
        out_shape=[
            jax.ShapeDtypeStruct((1, 1), jnp.float32),
            jax.ShapeDtypeStruct((1, 1), jnp.float32),
        ],
    )(lab_row, d_row, vs_row, gs_row, ds_row, rsum_row, rc_row, gs_col)


def kernel(z_r, z_v, labels, groups, var_lens):
    labels = labels.astype(jnp.int32)
    groups = groups.astype(jnp.int32)
    var_lens = var_lens.astype(jnp.int32)

    v_col = var_lens.reshape(N, 1)
    g_col = groups.reshape(N, 1)
    v_row = var_lens.reshape(1, N)
    g_row = groups.reshape(1, N)

    d_col, tab = _dot_call(z_r, z_v, v_col, g_col)
    pos_col, ge_col, rc_row = _pos_call(g_col, v_col, g_row, v_row)

    tab_s = _sc_scatter(tab, pos_col.reshape(SC_NW, SC_CH // SC_JB, SC_JB))

    vs_col = tab_s[:, 0:1]
    gs_colf = tab_s[:, 1:2]
    ds_col = tab_s[:, 2:3]
    vs_row = vs_col.reshape(1, N)
    gs_row = gs_colf.reshape(1, N)
    ds_row = ds_col.reshape(1, N)
    padv = jnp.zeros((CJB, 1), jnp.float32)
    padg = jnp.full((CJB, 1), -2.0, jnp.float32)
    vs_colp = jnp.concatenate([vs_col, padv], axis=0)
    gs_colp = jnp.concatenate([gs_colf, padg], axis=0)
    ds_colp = jnp.concatenate([ds_col, padv], axis=0)

    rsum_row = _pair2_call(
        ge_col.reshape(G), vs_row, gs_row, ds_row, vs_colp, gs_colp, ds_colp
    )

    cdd, pcc = _final_call(
        labels.reshape(1, N),
        d_col.reshape(1, N),
        vs_row,
        gs_row,
        ds_row,
        rsum_row,
        rc_row,
        gs_colf.astype(jnp.int32),
    )
    return cdd[0, 0], pcc[0, 0], d_col.reshape(N)

# --- scband reference (transcript-rebuilt; emitter-appended) ---
"""Pipeline reference for scband-metrics-loss-65781719106339 (READ-ONLY COPY).

The authoritative reference and input builder live on the scoring server;
editing this copy changes nothing except your own understanding.
"""

import jax, jax.numpy as jnp
import numpy as np

MARGIN = 2.0
K_MARGIN = 0.02


def setup_inputs(seed: int = 0) -> dict:
    key = jax.random.key(seed)
    k1, k2, k3, k4, k5 = jax.random.split(key, 5)
    N, D = 16384, 64
    z_r = jax.random.normal(k1, (N, D), dtype=jnp.float32)
    z_v = jax.random.normal(k2, (N, D), dtype=jnp.float32)
    labels = jax.random.randint(k3, (N,), 0, 2)
    groups = jax.random.randint(k4, (N,), 0, 256)
    var_lens = jax.random.randint(k5, (N,), 0, 200)
    return {"z_r": z_r, "z_v": z_v, "labels": labels, "groups": groups, "var_lens": var_lens}


def _forward(z_r, z_v, labels, groups, var_lens):
    # cosine distance
    d = 1.0 - jnp.sum(z_r * z_v, axis=-1)
    mb = labels == 0
    mp = labels == 1
    cnt_b = jnp.sum(mb)
    cnt_p = jnp.sum(mp)
    mean_b = jnp.sum(jnp.where(mb, d, 0.0)) / jnp.maximum(cnt_b, 1)
    mean_p = jnp.sum(jnp.where(mp, d, 0.0)) / jnp.maximum(cnt_p, 1)
    l_cdd = jnp.where(
        (cnt_b > 0) & (cnt_p > 0),
        jax.nn.relu(MARGIN + mean_b - mean_p),
        jnp.asarray(0.0, dtype=jnp.float32),
    )

    G = 256  # static group-id range of the module
    g = groups
    v = var_lens.astype(jnp.float32)
    ones = jnp.ones_like(d)
    n = jax.ops.segment_sum(ones, g, num_segments=G)
    denom_n = jnp.maximum(n, 1.0)
    denom_n1 = jnp.maximum(n - 1.0, 1.0)
    mean_v = jax.ops.segment_sum(v, g, num_segments=G) / denom_n
    mean_d = jax.ops.segment_sum(d, g, num_segments=G) / denom_n
    std_v = jnp.sqrt(jax.ops.segment_sum((v - mean_v[g]) ** 2, g, num_segments=G) / denom_n1)
    std_d = jnp.sqrt(jax.ops.segment_sum((d - mean_d[g]) ** 2, g, num_segments=G) / denom_n1)
    vlen_z = (v - mean_v[g]) / (std_v[g] + 1e-06)
    dist_z = (d - mean_d[g]) / (std_d[g] + 1e-06)
    corr_mean = jax.ops.segment_sum((vlen_z - dist_z) ** 2, g, num_segments=G) / denom_n
    corr_loss = jnp.where((std_v > 0) & (std_d > 0), corr_mean, 0.0)

    # stable sort by (group, vlen): var_lens in [0, 200) < 256, so the
    # composite key orders by group first, vlen second, ties kept stable
    order = jnp.argsort(g * 256 + var_lens)
    d_sorted = d[order]
    g_sorted = g[order]
    neigh_terms = jax.nn.relu(d_sorted[:-1] - d_sorted[1:] + K_MARGIN)
    same_group = g_sorted[:-1] == g_sorted[1:]
    neigh_viol = (
        jax.ops.segment_sum(jnp.where(same_group, neigh_terms, 0.0), g_sorted[:-1], num_segments=G)
        / denom_n1
    )

    # dv[i, j] = v[j] - v[i]; dd[i, j] = d[j] - d[i], restricted to same group
    B = 512
    nblk = d.shape[0] // B
    v_blocks = v.reshape(nblk, B)
    g_blocks = g.reshape(nblk, B)
    d_blocks = d.reshape(nblk, B)

    def _rank_body(carry, blk):
        s_acc, c_acc = carry
        vi, gi, di = blk
        pair_mask = (v[None, :] - vi[:, None] > 0) & (g[None, :] == gi[:, None])
        vals = jax.nn.relu(K_MARGIN - (d[None, :] - di[:, None]))
        row_sum = jnp.sum(jnp.where(pair_mask, vals, 0.0), axis=1)
        row_cnt = jnp.sum(pair_mask, axis=1).astype(d.dtype)
        return (s_acc.at[gi].add(row_sum), c_acc.at[gi].add(row_cnt)), None

    (rank_sum, rank_cnt), _ = jax.lax.scan(
        _rank_body,
        (jnp.zeros((G,), dtype=d.dtype), jnp.zeros((G,), dtype=d.dtype)),
        (v_blocks, g_blocks, d_blocks),
    )
    rank_loss = jnp.where(rank_cnt > 0, rank_sum / jnp.maximum(rank_cnt, 1.0), 0.0)

    group_loss = corr_loss + neigh_viol + rank_loss
    valid = n >= 2.0
    sizes = jnp.where(valid, n, 0.0)
    total = jnp.sum(sizes)
    weights = sizes / jnp.maximum(total, 1.0)
    l_pcc = jnp.where(
        total > 0,
        jnp.sum(jnp.where(valid, weights * group_loss, 0.0)),
        jnp.asarray(0.0, dtype=jnp.float32),
    )
    return (l_cdd, l_pcc, d)


def reference(z_r, z_v, labels, groups, var_lens):
    return _forward(z_r, z_v, labels, groups, var_lens)

if __name__ == "__main__":
    import jax
    _d = setup_inputs()
    print(jax.jit(kernel)(*tuple(_d.values())))

</pallas_src>

<mosaic_0001>
#map = affine_map<(d0, d1) -> (0, 0)>
#map1 = affine_map<(d0, d1) -> (0, 0, 0)>
module attributes {stable_mosaic.version = 14 : i64} {
  func.func @_sc_scatter_body(%arg0: i32, %arg1: i32, %arg2: memref<16384x16xf32, #tpu.memory_space<hbm>>, %arg3: memref<32x4x128xi32, #tpu.memory_space<hbm>>, %arg4: memref<16384x16xf32, #tpu.memory_space<hbm>>, %arg5: memref<512x16xf32, #tpu.memory_space<vmem>>, %arg6: memref<4x128xi32, #tpu.memory_space<vmem>>) attributes {dimension_semantics = [#tpu.dimension_semantics<core_parallel>, #tpu.dimension_semantics<subcore_parallel>], iteration_bounds = array<i64: 2, 16>, scalar_prefetch = 0 : i64, scratch_operands = 2 : i64, tpu.core_type = #tpu.core_type<sc_vector_subcore>, window_params = [{transform_indices = #map}, {transform_indices = #map1}, {transform_indices = #map}]} {
    %mul3A = arith.constant 2 : i32
    %mul3A_0 = arith.muli %arg1, %mul3A : i32
    %add3A = arith.addi %mul3A_0, %arg0 : i32
    %mul3A_1 = arith.constant 512 : i32
    %mul3A_2 = arith.muli %add3A, %mul3A_1 : i32
    "tpu.region"() ({
      %run_scoped3A_6 = tpu.sem_alloc : memref<!tpu.dma_semaphore, #tpu.memory_space<semaphore_mem>>
      %dma_start3A = arith.constant 0 : i32
      %dma_start3A_7 = tpu.memref_slice %arg2[%mul3A_2, %dma_start3A] : memref<16384x16xf32, #tpu.memory_space<hbm>> -> memref<512x16xf32, #tpu.memory_space<hbm>>
      %dma_start3A_8 = arith.constant 0 : i32
      %dma_start3A_9 = tpu.memref_slice %arg2[%mul3A_2, %dma_start3A_8] : memref<16384x16xf32, #tpu.memory_space<hbm>> -> memref<512x16xf32, #tpu.memory_space<hbm>>
      tpu.enqueue_dma source(%dma_start3A_9 : memref<512x16xf32, #tpu.memory_space<hbm>>) target(%arg5 : memref<512x16xf32, #tpu.memory_space<vmem>>) target_semaphore(%run_scoped3A_6 : memref<!tpu.dma_semaphore, #tpu.memory_space<semaphore_mem>>)
      %dma_wait3A = arith.constant 0 : i32
      %dma_wait3A_10 = tpu.memref_slice %arg2[%mul3A_2, %dma_wait3A] : memref<16384x16xf32, #tpu.memory_space<hbm>> -> memref<512x16xf32, #tpu.memory_space<hbm>>
      %dma_wait3A_11 = arith.constant 0 : i32
      %dma_wait3A_12 = tpu.memref_slice %arg2[%mul3A_2, %dma_wait3A_11] : memref<16384x16xf32, #tpu.memory_space<hbm>> -> memref<512x16xf32, #tpu.memory_space<hbm>>
      tpu.wait_dma2 semaphore(%run_scoped3A_6 : memref<!tpu.dma_semaphore, #tpu.memory_space<semaphore_mem>>) src(%dma_wait3A_12 : memref<512x16xf32, #tpu.memory_space<hbm>>) dst(%arg5 : memref<512x16xf32, #tpu.memory_space<vmem>>)
      tpu.yield
    }) : () -> ()
    "tpu.region"() ({
      %run_scoped3A_6 = tpu.sem_alloc : memref<!tpu.dma_semaphore, #tpu.memory_space<semaphore_mem>>
      %dma_start3A = arith.constant 0 : i32
      %dma_start3A_7 = arith.constant 0 : i32
      %dma_start3A_8 = tpu.memref_slice %arg3[%add3A, %dma_start3A, %dma_start3A_7] : memref<32x4x128xi32, #tpu.memory_space<hbm>> -> memref<1x4x128xi32, #tpu.memory_space<hbm>>
      %dma_start3A_9 = tpu.memref_squeeze %dma_start3A_8 : memref<1x4x128xi32, #tpu.memory_space<hbm>> -> memref<4x128xi32, #tpu.memory_space<hbm>>
      %dma_start3A_10 = arith.constant 0 : i32
      %dma_start3A_11 = arith.constant 0 : i32
      %dma_start3A_12 = tpu.memref_slice %arg3[%add3A, %dma_start3A_10, %dma_start3A_11] : memref<32x4x128xi32, #tpu.memory_space<hbm>> -> memref<1x4x128xi32, #tpu.memory_space<hbm>>
      %dma_start3A_13 = tpu.memref_squeeze %dma_start3A_12 : memref<1x4x128xi32, #tpu.memory_space<hbm>> -> memref<4x128xi32, #tpu.memory_space<hbm>>
      tpu.enqueue_dma source(%dma_start3A_13 : memref<4x128xi32, #tpu.memory_space<hbm>>) target(%arg6 : memref<4x128xi32, #tpu.memory_space<vmem>>) target_semaphore(%run_scoped3A_6 : memref<!tpu.dma_semaphore, #tpu.memory_space<semaphore_mem>>)
      %dma_wait3A = arith.constant 0 : i32
      %dma_wait3A_14 = arith.constant 0 : i32
      %dma_wait3A_15 = tpu.memref_slice %arg3[%add3A, %dma_wait3A, %dma_wait3A_14] : memref<32x4x128xi32, #tpu.memory_space<hbm>> -> memref<1x4x128xi32, #tpu.memory_space<hbm>>
      %dma_wait3A_16 = tpu.memref_squeeze %dma_wait3A_15 : memref<1x4x128xi32, #tpu.memory_space<hbm>> -> memref<4x128xi32, #tpu.memory_space<hbm>>
      %dma_wait3A_17 = arith.constant 0 : i32
      %dma_wait3A_18 = arith.constant 0 : i32
      %dma_wait3A_19 = tpu.memref_slice %arg3[%add3A, %dma_wait3A_17, %dma_wait3A_18] : memref<32x4x128xi32, #tpu.memory_space<hbm>> -> memref<1x4x128xi32, #tpu.memory_space<hbm>>
      %dma_wait3A_20 = tpu.memref_squeeze %dma_wait3A_19 : memref<1x4x128xi32, #tpu.memory_space<hbm>> -> memref<4x128xi32, #tpu.memory_space<hbm>>
      tpu.wait_dma2 semaphore(%run_scoped3A_6 : memref<!tpu.dma_semaphore, #tpu.memory_space<semaphore_mem>>) src(%dma_wait3A_20 : memref<4x128xi32, #tpu.memory_space<hbm>>) dst(%arg6 : memref<4x128xi32, #tpu.memory_space<vmem>>)
      tpu.yield
    }) : () -> ()
    %run_scoped3A = arith.constant 0 : i32
    "tpu.region"() ({
      %run_scoped3A_6 = tpu.sem_alloc : memref<!tpu.dma_semaphore, #tpu.memory_space<semaphore_mem>>
      %dma_start3A = arith.constant 0 : i32
      %dma_start3A_7 = arith.constant 0 : i32
      %dma_start3A_8 = tpu.memref_slice %arg5[%dma_start3A, %dma_start3A_7] : memref<512x16xf32, #tpu.memory_space<vmem>> -> memref<128x16xf32, #tpu.memory_space<vmem>>
      %dma_start3A_9 = arith.constant 0 : i32
      %dma_start3A_10 = tpu.memref_slice %arg6[%run_scoped3A, %dma_start3A_9] : memref<4x128xi32, #tpu.memory_space<vmem>> -> memref<1x128xi32, #tpu.memory_space<vmem>>
      %dma_start3A_11 = tpu.memref_squeeze %dma_start3A_10 : memref<1x128xi32, #tpu.memory_space<vmem>> -> memref<128xi32, #tpu.memory_space<vmem>>
      %dma_start3A_12 = arith.constant 0 : i32
      %dma_start3A_13 = arith.constant 0 : i32
      %dma_start3A_14 = tpu.memref_slice %arg4[%dma_start3A_12, %dma_start3A_13] : memref<16384x16xf32, #tpu.memory_space<hbm>> -> memref<16384x16xf32, #tpu.memory_space<hbm>>
      tpu.enqueue_indirect_dma source(%dma_start3A_8 : memref<128x16xf32, #tpu.memory_space<vmem>>) target(%dma_start3A_14 : memref<16384x16xf32, #tpu.memory_space<hbm>>) offsets(%dma_start3A_11 : memref<128xi32, #tpu.memory_space<vmem>>) semaphore(%run_scoped3A_6 : memref<!tpu.dma_semaphore, #tpu.memory_space<semaphore_mem>>)
      %dma_wait3A = arith.constant 0 : i32
      %dma_wait3A_15 = arith.constant 0 : i32
      %dma_wait3A_16 = tpu.memref_slice %arg5[%dma_wait3A, %dma_wait3A_15] : memref<512x16xf32, #tpu.memory_space<vmem>> -> memref<128x16xf32, #tpu.memory_space<vmem>>
      %dma_wait3A_17 = arith.constant 0 : i32
      %dma_wait3A_18 = tpu.memref_slice %arg6[%run_scoped3A, %dma_wait3A_17] : memref<4x128xi32, #tpu.memory_space<vmem>> -> memref<1x128xi32, #tpu.memory_space<vmem>>
      %dma_wait3A_19 = tpu.memref_squeeze %dma_wait3A_18 : memref<1x128xi32, #tpu.memory_space<vmem>> -> memref<128xi32, #tpu.memory_space<vmem>>
      %dma_wait3A_20 = arith.constant 0 : i32
      %dma_wait3A_21 = arith.constant 0 : i32
      %dma_wait3A_22 = tpu.memref_slice %arg4[%dma_wait3A_20, %dma_wait3A_21] : memref<16384x16xf32, #tpu.memory_space<hbm>> -> memref<16384x16xf32, #tpu.memory_space<hbm>>
      tpu.wait_indirect_dma semaphore(%run_scoped3A_6 : memref<!tpu.dma_semaphore, #tpu.memory_space<semaphore_mem>>) src(%dma_wait3A_16 : memref<128x16xf32, #tpu.memory_space<vmem>>) dst(%dma_wait3A_22 : memref<16384x16xf32, #tpu.memory_space<hbm>>)
      tpu.yield
    }) : () -> ()
    %run_scoped3A_3 = arith.constant 1 : i32
    "tpu.region"() ({
      %run_scoped3A_6 = tpu.sem_alloc : memref<!tpu.dma_semaphore, #tpu.memory_space<semaphore_mem>>
      %dma_start3A = arith.constant 128 : i32
      %dma_start3A_7 = arith.constant 0 : i32
      %dma_start3A_8 = tpu.memref_slice %arg5[%dma_start3A, %dma_start3A_7] : memref<512x16xf32, #tpu.memory_space<vmem>> -> memref<128x16xf32, #tpu.memory_space<vmem>>
      %dma_start3A_9 = arith.constant 0 : i32
      %dma_start3A_10 = tpu.memref_slice %arg6[%run_scoped3A_3, %dma_start3A_9] : memref<4x128xi32, #tpu.memory_space<vmem>> -> memref<1x128xi32, #tpu.memory_space<vmem>>
      %dma_start3A_11 = tpu.memref_squeeze %dma_start3A_10 : memref<1x128xi32, #tpu.memory_space<vmem>> -> memref<128xi32, #tpu.memory_space<vmem>>
      %dma_start3A_12 = arith.constant 0 : i32
      %dma_start3A_13 = arith.constant 0 : i32
      %dma_start3A_14 = tpu.memref_slice %arg4[%dma_start3A_12, %dma_start3A_13] : memref<16384x16xf32, #tpu.memory_space<hbm>> -> memref<16384x16xf32, #tpu.memory_space<hbm>>
      tpu.enqueue_indirect_dma source(%dma_start3A_8 : memref<128x16xf32, #tpu.memory_space<vmem>>) target(%dma_start3A_14 : memref<16384x16xf32, #tpu.memory_space<hbm>>) offsets(%dma_start3A_11 : memref<128xi32, #tpu.memory_space<vmem>>) semaphore(%run_scoped3A_6 : memref<!tpu.dma_semaphore, #tpu.memory_space<semaphore_mem>>)
      %dma_wait3A = arith.constant 128 : i32
      %dma_wait3A_15 = arith.constant 0 : i32
      %dma_wait3A_16 = tpu.memref_slice %arg5[%dma_wait3A, %dma_wait3A_15] : memref<512x16xf32, #tpu.memory_space<vmem>> -> memref<128x16xf32, #tpu.memory_space<vmem>>
      %dma_wait3A_17 = arith.constant 0 : i32
      %dma_wait3A_18 = tpu.memref_slice %arg6[%run_scoped3A_3, %dma_wait3A_17] : memref<4x128xi32, #tpu.memory_space<vmem>> -> memref<1x128xi32, #tpu.memory_space<vmem>>
      %dma_wait3A_19 = tpu.memref_squeeze %dma_wait3A_18 : memref<1x128xi32, #tpu.memory_space<vmem>> -> memref<128xi32, #tpu.memory_space<vmem>>
      %dma_wait3A_20 = arith.constant 0 : i32
      %dma_wait3A_21 = arith.constant 0 : i32
      %dma_wait3A_22 = tpu.memref_slice %arg4[%dma_wait3A_20, %dma_wait3A_21] : memref<16384x16xf32, #tpu.memory_space<hbm>> -> memref<16384x16xf32, #tpu.memory_space<hbm>>
      tpu.wait_indirect_dma semaphore(%run_scoped3A_6 : memref<!tpu.dma_semaphore, #tpu.memory_space<semaphore_mem>>) src(%dma_wait3A_16 : memref<128x16xf32, #tpu.memory_space<vmem>>) dst(%dma_wait3A_22 : memref<16384x16xf32, #tpu.memory_space<hbm>>)
      tpu.yield
    }) : () -> ()
    %run_scoped3A_4 = arith.constant 2 : i32
    "tpu.region"() ({
      %run_scoped3A_6 = tpu.sem_alloc : memref<!tpu.dma_semaphore, #tpu.memory_space<semaphore_mem>>
      %dma_start3A = arith.constant 256 : i32
      %dma_start3A_7 = arith.constant 0 : i32
      %dma_start3A_8 = tpu.memref_slice %arg5[%dma_start3A, %dma_start3A_7] : memref<512x16xf32, #tpu.memory_space<vmem>> -> memref<128x16xf32, #tpu.memory_space<vmem>>
      %dma_start3A_9 = arith.constant 0 : i32
      %dma_start3A_10 = tpu.memref_slice %arg6[%run_scoped3A_4, %dma_start3A_9] : memref<4x128xi32, #tpu.memory_space<vmem>> -> memref<1x128xi32, #tpu.memory_space<vmem>>
      %dma_start3A_11 = tpu.memref_squeeze %dma_start3A_10 : memref<1x128xi32, #tpu.memory_space<vmem>> -> memref<128xi32, #tpu.memory_space<vmem>>
      %dma_start3A_12 = arith.constant 0 : i32
      %dma_start3A_13 = arith.constant 0 : i32
      %dma_start3A_14 = tpu.memref_slice %arg4[%dma_start3A_12, %dma_start3A_13] : memref<16384x16xf32, #tpu.memory_space<hbm>> -> memref<16384x16xf32, #tpu.memory_space<hbm>>
      tpu.enqueue_indirect_dma source(%dma_start3A_8 : memref<128x16xf32, #tpu.memory_space<vmem>>) target(%dma_start3A_14 : memref<16384x16xf32, #tpu.memory_space<hbm>>) offsets(%dma_start3A_11 : memref<128xi32, #tpu.memory_space<vmem>>) semaphore(%run_scoped3A_6 : memref<!tpu.dma_semaphore, #tpu.memory_space<semaphore_mem>>)
      %dma_wait3A = arith.constant 256 : i32
      %dma_wait3A_15 = arith.constant 0 : i32
      %dma_wait3A_16 = tpu.memref_slice %arg5[%dma_wait3A, %dma_wait3A_15] : memref<512x16xf32, #tpu.memory_space<vmem>> -> memref<128x16xf32, #tpu.memory_space<vmem>>
      %dma_wait3A_17 = arith.constant 0 : i32
      %dma_wait3A_18 = tpu.memref_slice %arg6[%run_scoped3A_4, %dma_wait3A_17] : memref<4x128xi32, #tpu.memory_space<vmem>> -> memref<1x128xi32, #tpu.memory_space<vmem>>
      %dma_wait3A_19 = tpu.memref_squeeze %dma_wait3A_18 : memref<1x128xi32, #tpu.memory_space<vmem>> -> memref<128xi32, #tpu.memory_space<vmem>>
      %dma_wait3A_20 = arith.constant 0 : i32
      %dma_wait3A_21 = arith.constant 0 : i32
      %dma_wait3A_22 = tpu.memref_slice %arg4[%dma_wait3A_20, %dma_wait3A_21] : memref<16384x16xf32, #tpu.memory_space<hbm>> -> memref<16384x16xf32, #tpu.memory_space<hbm>>
      tpu.wait_indirect_dma semaphore(%run_scoped3A_6 : memref<!tpu.dma_semaphore, #tpu.memory_space<semaphore_mem>>) src(%dma_wait3A_16 : memref<128x16xf32, #tpu.memory_space<vmem>>) dst(%dma_wait3A_22 : memref<16384x16xf32, #tpu.memory_space<hbm>>)
      tpu.yield
    }) : () -> ()
    %run_scoped3A_5 = arith.constant 3 : i32
    "tpu.region"() ({
      %run_scoped3A_6 = tpu.sem_alloc : memref<!tpu.dma_semaphore, #tpu.memory_space<semaphore_mem>>
      %dma_start3A = arith.constant 384 : i32
      %dma_start3A_7 = arith.constant 0 : i32
      %dma_start3A_8 = tpu.memref_slice %arg5[%dma_start3A, %dma_start3A_7] : memref<512x16xf32, #tpu.memory_space<vmem>> -> memref<128x16xf32, #tpu.memory_space<vmem>>
      %dma_start3A_9 = arith.constant 0 : i32
      %dma_start3A_10 = tpu.memref_slice %arg6[%run_scoped3A_5, %dma_start3A_9] : memref<4x128xi32, #tpu.memory_space<vmem>> -> memref<1x128xi32, #tpu.memory_space<vmem>>
      %dma_start3A_11 = tpu.memref_squeeze %dma_start3A_10 : memref<1x128xi32, #tpu.memory_space<vmem>> -> memref<128xi32, #tpu.memory_space<vmem>>
      %dma_start3A_12 = arith.constant 0 : i32
      %dma_start3A_13 = arith.constant 0 : i32
      %dma_start3A_14 = tpu.memref_slice %arg4[%dma_start3A_12, %dma_start3A_13] : memref<16384x16xf32, #tpu.memory_space<hbm>> -> memref<16384x16xf32, #tpu.memory_space<hbm>>
      tpu.enqueue_indirect_dma source(%dma_start3A_8 : memref<128x16xf32, #tpu.memory_space<vmem>>) target(%dma_start3A_14 : memref<16384x16xf32, #tpu.memory_space<hbm>>) offsets(%dma_start3A_11 : memref<128xi32, #tpu.memory_space<vmem>>) semaphore(%run_scoped3A_6 : memref<!tpu.dma_semaphore, #tpu.memory_space<semaphore_mem>>)
      %dma_wait3A = arith.constant 384 : i32
      %dma_wait3A_15 = arith.constant 0 : i32
      %dma_wait3A_16 = tpu.memref_slice %arg5[%dma_wait3A, %dma_wait3A_15] : memref<512x16xf32, #tpu.memory_space<vmem>> -> memref<128x16xf32, #tpu.memory_space<vmem>>
      %dma_wait3A_17 = arith.constant 0 : i32
      %dma_wait3A_18 = tpu.memref_slice %arg6[%run_scoped3A_5, %dma_wait3A_17] : memref<4x128xi32, #tpu.memory_space<vmem>> -> memref<1x128xi32, #tpu.memory_space<vmem>>
      %dma_wait3A_19 = tpu.memref_squeeze %dma_wait3A_18 : memref<1x128xi32, #tpu.memory_space<vmem>> -> memref<128xi32, #tpu.memory_space<vmem>>
      %dma_wait3A_20 = arith.constant 0 : i32
      %dma_wait3A_21 = arith.constant 0 : i32
      %dma_wait3A_22 = tpu.memref_slice %arg4[%dma_wait3A_20, %dma_wait3A_21] : memref<16384x16xf32, #tpu.memory_space<hbm>> -> memref<16384x16xf32, #tpu.memory_space<hbm>>
      tpu.wait_indirect_dma semaphore(%run_scoped3A_6 : memref<!tpu.dma_semaphore, #tpu.memory_space<semaphore_mem>>) src(%dma_wait3A_16 : memref<128x16xf32, #tpu.memory_space<vmem>>) dst(%dma_wait3A_22 : memref<16384x16xf32, #tpu.memory_space<hbm>>)
      tpu.yield
    }) : () -> ()
    return
  }
}

module attributes {stable_mosaic.version = 14 : i64} {
  func.func @_dot_body(%arg0: i32, %arg1: memref<1024x64xf32, #tpu.memory_space<vmem>>, %arg2: memref<1024x64xf32, #tpu.memory_space<vmem>>, %arg3: memref<1024x1xi32, #tpu.memory_space<vmem>>, %arg4: memref<1024x1xi32, #tpu.memory_space<vmem>>, %arg5: memref<1024x1xf32, #tpu.memory_space<vmem>>, %arg6: memref<1024x16xf32, #tpu.memory_space<vmem>>) attributes {dimension_semantics = [#tpu.dimension_semantics<arbitrary>], iteration_bounds = array<i64: 16>, scalar_prefetch = 0 : i64, scratch_operands = 0 : i64, tpu.core_type = #tpu.core_type<tc>, window_params = [{transform_indices = @transform_0, window_bounds = array<i64: 1024, 64>}, {transform_indices = @transform_1, window_bounds = array<i64: 1024, 64>}, {transform_indices = @transform_2, window_bounds = array<i64: 1024, 1>}, {transform_indices = @transform_3, window_bounds = array<i64: 1024, 1>}, {transform_indices = @transform_4, window_bounds = array<i64: 1024, 1>}, {transform_indices = @transform_5, window_bounds = array<i64: 1024, 16>}]} {
    %get3A = arith.constant 0 : index
    %get3A_0 = arith.constant 0 : index
    %get3A_1 = vector.load %arg1[%get3A, %get3A_0] : memref<1024x64xf32, #tpu.memory_space<vmem>>, vector<1024x64xf32>
    %get3A_2 = arith.constant 0 : index
    %get3A_3 = arith.constant 0 : index
    %get3A_4 = vector.load %arg2[%get3A_2, %get3A_3] : memref<1024x64xf32, #tpu.memory_space<vmem>>, vector<1024x64xf32>
    %mul3A = arith.mulf %get3A_1, %get3A_4 : vector<1024x64xf32>
    %reduce_sum3A = arith.constant dense<0.000000e+00> : vector<1024xf32>
    %reduce_sum3A_5 = vector.multi_reduction <add>, %mul3A, %reduce_sum3A [1] : vector<1024x64xf32> to vector<1024xf32>
    %broadcast_in_dim3A = vector.shape_cast %reduce_sum3A_5 : vector<1024xf32> to vector<1024x1xf32>
    %sub3A = arith.constant 1.000000e+00 : f32
    %sub3A_6 = vector.broadcast %sub3A : f32 to vector<1024x1xf32>
    %sub3A_7 = arith.subf %sub3A_6, %broadcast_in_dim3A : vector<1024x1xf32>
    %swap3A = arith.constant 0 : index
    %swap3A_8 = arith.constant 0 : index
    %swap3A_9 = vector.load %arg5[%swap3A, %swap3A_8] : memref<1024x1xf32, #tpu.memory_space<vmem>>, vector<1024x1xf32>
    tpu.vector_store %arg5[%swap3A, %swap3A_8], %sub3A_7 {strides = array<i32>} : memref<1024x1xf32, #tpu.memory_space<vmem>>, vector<1024x1xf32>,
    %get3A_10 = arith.constant 0 : index
    %get3A_11 = arith.constant 0 : index
    %get3A_12 = vector.load %arg3[%get3A_10, %get3A_11] : memref<1024x1xi32, #tpu.memory_space<vmem>>, vector<1024x1xi32>
    %convert_element_type3A = arith.sitofp %get3A_12 : vector<1024x1xi32> to vector<1024x1xf32>
    %get3A_13 = arith.constant 0 : index
    %get3A_14 = arith.constant 0 : index
    %get3A_15 = vector.load %arg4[%get3A_13, %get3A_14] : memref<1024x1xi32, #tpu.memory_space<vmem>>, vector<1024x1xi32>
    %convert_element_type3A_16 = arith.sitofp %get3A_15 : vector<1024x1xi32> to vector<1024x1xf32>
    %broadcast_in_dim3A_17 = arith.constant 0.000000e+00 : f32
    %broadcast_in_dim3A_18 = vector.broadcast %broadcast_in_dim3A_17 : f32 to vector<1024x13xf32>
    %concatenate3A = tpu.concatenate %convert_element_type3A, %convert_element_type3A_16, %sub3A_7, %broadcast_in_dim3A_18 in 1 : vector<1024x1xf32>, vector<1024x1xf32>, vector<1024x1xf32>, vector<1024x13xf32> -> vector<1024x16xf32>
    %swap3A_19 = arith.constant 0 : index
    %swap3A_20 = arith.constant 0 : index
    %swap3A_21 = vector.load %arg6[%swap3A_19, %swap3A_20] : memref<1024x16xf32, #tpu.memory_space<vmem>>, vector<1024x16xf32>
    tpu.vector_store %arg6[%swap3A_19, %swap3A_20], %concatenate3A {strides = array<i32>} : memref<1024x16xf32, #tpu.memory_space<vmem>>, vector<1024x16xf32>,
    return
  }
  func.func @transform_0(%arg0: i32) -> (i32, i32) {
    %c0_i32 = arith.constant 0 : i32
    %c0_i32_0 = arith.constant 0 : i32
    return %arg0, %c0_i32 : i32, i32
  }
  func.func @transform_1(%arg0: i32) -> (i32, i32) {
    %c0_i32 = arith.constant 0 : i32
    %c0_i32_0 = arith.constant 0 : i32
    return %arg0, %c0_i32 : i32, i32
  }
  func.func @transform_2(%arg0: i32) -> (i32, i32) {
    %c0_i32 = arith.constant 0 : i32
    %c0_i32_0 = arith.constant 0 : i32
    return %arg0, %c0_i32 : i32, i32
  }
  func.func @transform_3(%arg0: i32) -> (i32, i32) {
    %c0_i32 = arith.constant 0 : i32
    %c0_i32_0 = arith.constant 0 : i32
    return %arg0, %c0_i32 : i32, i32
  }
  func.func @transform_4(%arg0: i32) -> (i32, i32) {
    %c0_i32 = arith.constant 0 : i32
    %c0_i32_0 = arith.constant 0 : i32
    return %arg0, %c0_i32 : i32, i32
  }
  func.func @transform_5(%arg0: i32) -> (i32, i32) {
    %c0_i32 = arith.constant 0 : i32
    %c0_i32_0 = arith.constant 0 : i32
    return %arg0, %c0_i32 : i32, i32
  }
}

module attributes {stable_mosaic.version = 14 : i64} {
  func.func @_pos_body(%arg0: memref<16384x1xi32, #tpu.memory_space<vmem>>, %arg1: memref<16384x1xi32, #tpu.memory_space<vmem>>, %arg2: memref<1x16384xi32, #tpu.memory_space<vmem>>, %arg3: memref<1x16384xi32, #tpu.memory_space<vmem>>, %arg4: memref<16384x1xi32, #tpu.memory_space<vmem>>, %arg5: memref<1x256xi32, #tpu.memory_space<vmem>>, %arg6: memref<1x256xf32, #tpu.memory_space<vmem>>, %arg7: memref<256x256xf32, #tpu.memory_space<vmem>>, %arg8: memref<256x256xf32, #tpu.memory_space<vmem>>, %arg9: memref<8192x256xf32, #tpu.memory_space<vmem>>) attributes {dimension_semantics = [], scalar_prefetch = 0 : i64, scratch_operands = 3 : i64, tpu.core_type = #tpu.core_type<tc>} {
    %iota3A = tpu.iota {dimensions = array<i32: 1>} : vector<1x256xi32>
    %iota3A_0 = tpu.iota {dimensions = array<i32: 0>} : vector<256x1xi32>
    %broadcast_in_dim3A = arith.constant 0.000000e+00 : f32
    %broadcast_in_dim3A_1 = vector.broadcast %broadcast_in_dim3A : f32 to vector<256x256xf32>
    %swap3A = arith.constant 0 : index
    %swap3A_2 = arith.constant 0 : index
    %swap3A_3 = vector.load %arg7[%swap3A, %swap3A_2] : memref<256x256xf32, #tpu.memory_space<vmem>>, vector<256x256xf32>
    tpu.vector_store %arg7[%swap3A, %swap3A_2], %broadcast_in_dim3A_1 {strides = array<i32>} : memref<256x256xf32, #tpu.memory_space<vmem>>, vector<256x256xf32>,
    %scan3A = arith.constant 0 : i32
    %scan3A_4 = arith.constant 32 : i32
    %scan3A_5 = arith.addi %scan3A, %scan3A_4 : i32
    %scan3A_6 = arith.constant 1 : i32
    scf.for %scan3A_50 = %scan3A to %scan3A_5 step %scan3A_6  : i32 {
      %mul3A_51 = arith.constant 512 : i32
      %mul3A_52 = arith.muli %scan3A_50, %mul3A_51 : i32
      %get3A_53 = arith.index_cast %mul3A_52 : i32 to index
      %get3A_54 = arith.constant 0 : index
      %get3A_55 = vector.load %arg0[%get3A_53, %get3A_54] : memref<16384x1xi32, #tpu.memory_space<vmem>>, vector<512x1xi32>
      %mul3A_56 = arith.constant 512 : i32
      %mul3A_57 = arith.muli %scan3A_50, %mul3A_56 : i32
      %get3A_58 = arith.constant 0 : index
      %get3A_59 = arith.index_cast %mul3A_57 : i32 to index
      %get3A_60 = vector.load %arg3[%get3A_58, %get3A_59] : memref<1x16384xi32, #tpu.memory_space<vmem>>, vector<1x512xi32>
      %eq3A = vector.broadcast %get3A_55 : vector<512x1xi32> to vector<512x256xi32>
      %eq3A_61 = vector.broadcast %iota3A : vector<1x256xi32> to vector<512x256xi32>
      %eq3A_62 = arith.cmpi eq, %eq3A, %eq3A_61 : vector<512x256xi32>
      %convert_element_type3A_63 = arith.extui %eq3A_62 : vector<512x256xi1> to vector<512x256xi32>
      %convert_element_type3A_64 = arith.sitofp %convert_element_type3A_63 : vector<512x256xi32> to vector<512x256xf32>
      %eq3A_65 = vector.broadcast %iota3A_0 : vector<256x1xi32> to vector<256x512xi32>
      %eq3A_66 = vector.broadcast %get3A_60 : vector<1x512xi32> to vector<256x512xi32>
      %eq3A_67 = arith.cmpi eq, %eq3A_65, %eq3A_66 : vector<256x512xi32>
      %convert_element_type3A_68 = arith.extui %eq3A_67 : vector<256x512xi1> to vector<256x512xi32>
      %convert_element_type3A_69 = arith.sitofp %convert_element_type3A_68 : vector<256x512xi32> to vector<256x512xf32>
      %dot_general3A_70 = arith.constant dense<0.000000e+00> : vector<256x256xf32>
      %dot_general3A_71 = tpu.matmul %convert_element_type3A_69, %convert_element_type3A_64, %dot_general3A_70 {dimension_numbers = #tpu.dot_dimension_numbers<[1], [0], [0], [1], [0, 0, 1, 1], [], []>, transpose_lhs_hint = false} : vector<256x512xf32>, vector<512x256xf32>, vector<256x256xf32> -> vector<256x256xf32>
      %mul3A_72 = arith.constant 256 : i32
      %mul3A_73 = arith.muli %scan3A_50, %mul3A_72 : i32
      %swap3A_74 = arith.index_cast %mul3A_73 : i32 to index
      %swap3A_75 = arith.constant 0 : index
      %swap3A_76 = vector.load %arg9[%swap3A_74, %swap3A_75] : memref<8192x256xf32, #tpu.memory_space<vmem>>, vector<256x256xf32>
      tpu.vector_store %arg9[%swap3A_74, %swap3A_75], %dot_general3A_71 {strides = array<i32>} : memref<8192x256xf32, #tpu.memory_space<vmem>>, vector<256x256xf32>,
      %get3A_77 = arith.constant 0 : index
      %get3A_78 = arith.constant 0 : index
      %get3A_79 = vector.load %arg7[%get3A_77, %get3A_78] : memref<256x256xf32, #tpu.memory_space<vmem>>, vector<256x256xf32>
      %add3A_80 = arith.addf %get3A_79, %dot_general3A_71 : vector<256x256xf32>
      %swap3A_81 = arith.constant 0 : index
      %swap3A_82 = arith.constant 0 : index
      %swap3A_83 = vector.load %arg7[%swap3A_81, %swap3A_82] : memref<256x256xf32, #tpu.memory_space<vmem>>, vector<256x256xf32>
      tpu.vector_store %arg7[%swap3A_81, %swap3A_82], %add3A_80 {strides = array<i32>} : memref<256x256xf32, #tpu.memory_space<vmem>>, vector<256x256xf32>,
    }
    %scan3A_7 = arith.constant 32 : i32
    %get3A = arith.constant 0 : index
    %get3A_8 = arith.constant 0 : index
    %get3A_9 = vector.load %arg7[%get3A, %get3A_8] : memref<256x256xf32, #tpu.memory_space<vmem>>, vector<256x256xf32>
    %gt3A = vector.broadcast %iota3A_0 : vector<256x1xi32> to vector<256x256xi32>
    %gt3A_10 = vector.broadcast %iota3A : vector<1x256xi32> to vector<256x256xi32>
    %gt3A_11 = arith.cmpi sgt, %gt3A, %gt3A_10 : vector<256x256xi32>
    %convert_element_type3A = arith.extui %gt3A_11 : vector<256x256xi1> to vector<256x256xi32>
    %convert_element_type3A_12 = arith.sitofp %convert_element_type3A : vector<256x256xi32> to vector<256x256xf32>
    %lt3A = vector.broadcast %iota3A_0 : vector<256x1xi32> to vector<256x256xi32>
    %lt3A_13 = vector.broadcast %iota3A : vector<1x256xi32> to vector<256x256xi32>
    %lt3A_14 = arith.cmpi slt, %lt3A, %lt3A_13 : vector<256x256xi32>
    %convert_element_type3A_15 = arith.extui %lt3A_14 : vector<256x256xi1> to vector<256x256xi32>
    %convert_element_type3A_16 = arith.sitofp %convert_element_type3A_15 : vector<256x256xi32> to vector<256x256xf32>
    %dot_general3A = arith.constant dense<0.000000e+00> : vector<256x256xf32>
    %dot_general3A_17 = tpu.matmul %convert_element_type3A_12, %get3A_9, %dot_general3A {dimension_numbers = #tpu.dot_dimension_numbers<[1], [0], [0], [1], [0, 0, 1, 1], [], []>, precision = #tpu.contract_precision<fp32>, transpose_lhs_hint = false} : vector<256x256xf32>, vector<256x256xf32>, vector<256x256xf32> -> vector<256x256xf32>
    %reduce_sum3A = arith.constant dense<0.000000e+00> : vector<256xf32>
    %reduce_sum3A_18 = vector.multi_reduction <add>, %get3A_9, %reduce_sum3A [0] : vector<256x256xf32> to vector<256xf32>
    %broadcast_in_dim3A_19 = vector.shape_cast %reduce_sum3A_18 : vector<256xf32> to vector<1x256xf32>
    %dot_general3A_20 = arith.constant dense<0.000000e+00> : vector<1x256xf32>
    %dot_general3A_21 = tpu.matmul %broadcast_in_dim3A_19, %convert_element_type3A_16, %dot_general3A_20 {dimension_numbers = #tpu.dot_dimension_numbers<[1], [0], [0], [1], [0, 0, 1, 1], [], []>, precision = #tpu.contract_precision<fp32>, transpose_lhs_hint = false} : vector<1x256xf32>, vector<256x256xf32>, vector<1x256xf32> -> vector<1x256xf32>
    %add3A = vector.broadcast %dot_general3A_21 : vector<1x256xf32> to vector<256x256xf32>
    %add3A_22 = arith.addf %add3A, %dot_general3A_17 : vector<256x256xf32>
    %add3A_23 = arith.addf %dot_general3A_21, %broadcast_in_dim3A_19 : vector<1x256xf32>
    %convert_element_type3A_24 = arith.fptosi %add3A_23 : vector<1x256xf32> to vector<1x256xi32>
    %swap3A_25 = arith.constant 0 : index
    %swap3A_26 = arith.constant 0 : index
    %swap3A_27 = vector.load %arg5[%swap3A_25, %swap3A_26] : memref<1x256xi32, #tpu.memory_space<vmem>>, vector<1x256xi32>
    tpu.vector_store %arg5[%swap3A_25, %swap3A_26], %convert_element_type3A_24 {strides = array<i32>} : memref<1x256xi32, #tpu.memory_space<vmem>>, vector<1x256xi32>,
    %mul3A = arith.mulf %get3A_9, %get3A_9 : vector<256x256xf32>
    %reduce_sum3A_28 = arith.constant dense<0.000000e+00> : vector<256xf32>
    %reduce_sum3A_29 = vector.multi_reduction <add>, %mul3A, %reduce_sum3A_28 [0] : vector<256x256xf32> to vector<256xf32>
    %broadcast_in_dim3A_30 = vector.shape_cast %reduce_sum3A_29 : vector<256xf32> to vector<1x256xf32>
    %mul3A_31 = arith.mulf %broadcast_in_dim3A_19, %broadcast_in_dim3A_19 : vector<1x256xf32>
    %sub3A = arith.subf %mul3A_31, %broadcast_in_dim3A_30 : vector<1x256xf32>
    %mul3A_32 = arith.constant 5.000000e-01 : f32
    %mul3A_33 = vector.broadcast %mul3A_32 : f32 to vector<1x256xf32>
    %mul3A_34 = arith.mulf %sub3A, %mul3A_33 : vector<1x256xf32>
    %swap3A_35 = arith.constant 0 : index
    %swap3A_36 = arith.constant 0 : index
    %swap3A_37 = vector.load %arg6[%swap3A_35, %swap3A_36] : memref<1x256xf32, #tpu.memory_space<vmem>>, vector<1x256xf32>
    tpu.vector_store %arg6[%swap3A_35, %swap3A_36], %mul3A_34 {strides = array<i32>} : memref<1x256xf32, #tpu.memory_space<vmem>>, vector<1x256xf32>,
    %broadcast_in_dim3A_38 = arith.constant 0.000000e+00 : f32
    %broadcast_in_dim3A_39 = vector.broadcast %broadcast_in_dim3A_38 : f32 to vector<256x256xf32>
    %swap3A_40 = arith.constant 0 : index
    %swap3A_41 = arith.constant 0 : index
    %swap3A_42 = vector.load %arg8[%swap3A_40, %swap3A_41] : memref<256x256xf32, #tpu.memory_space<vmem>>, vector<256x256xf32>
    tpu.vector_store %arg8[%swap3A_40, %swap3A_41], %broadcast_in_dim3A_39 {strides = array<i32>} : memref<256x256xf32, #tpu.memory_space<vmem>>, vector<256x256xf32>,
    %iota3A_43 = tpu.iota {dimensions = array<i32: 0>} : vector<512x1xi32>
    %iota3A_44 = tpu.iota {dimensions = array<i32: 1>} : vector<1x512xi32>
    %scan3A_45 = arith.constant 0 : i32
    %scan3A_46 = arith.constant 32 : i32
    %scan3A_47 = arith.addi %scan3A_45, %scan3A_46 : i32
    %scan3A_48 = arith.constant 1 : i32
    scf.for %scan3A_50 = %scan3A_45 to %scan3A_47 step %scan3A_48  : i32 {
      %mul3A_51 = arith.constant 512 : i32
      %mul3A_52 = arith.muli %scan3A_50, %mul3A_51 : i32
      %get3A_53 = arith.index_cast %mul3A_52 : i32 to index
      %get3A_54 = arith.constant 0 : index
      %get3A_55 = vector.load %arg0[%get3A_53, %get3A_54] : memref<16384x1xi32, #tpu.memory_space<vmem>>, vector<512x1xi32>
      %mul3A_56 = arith.constant 512 : i32
      %mul3A_57 = arith.muli %scan3A_50, %mul3A_56 : i32
      %get3A_58 = arith.index_cast %mul3A_57 : i32 to index
      %get3A_59 = arith.constant 0 : index
      %get3A_60 = vector.load %arg1[%get3A_58, %get3A_59] : memref<16384x1xi32, #tpu.memory_space<vmem>>, vector<512x1xi32>
      %mul3A_61 = arith.constant 512 : i32
      %mul3A_62 = arith.muli %scan3A_50, %mul3A_61 : i32
      %get3A_63 = arith.constant 0 : index
      %get3A_64 = arith.index_cast %mul3A_62 : i32 to index
      %get3A_65 = vector.load %arg2[%get3A_63, %get3A_64] : memref<1x16384xi32, #tpu.memory_space<vmem>>, vector<1x512xi32>
      %mul3A_66 = arith.constant 512 : i32
      %mul3A_67 = arith.muli %scan3A_50, %mul3A_66 : i32
      %get3A_68 = arith.constant 0 : index
      %get3A_69 = arith.index_cast %mul3A_67 : i32 to index
      %get3A_70 = vector.load %arg3[%get3A_68, %get3A_69] : memref<1x16384xi32, #tpu.memory_space<vmem>>, vector<1x512xi32>
      %eq3A = vector.broadcast %get3A_55 : vector<512x1xi32> to vector<512x256xi32>
      %eq3A_71 = vector.broadcast %iota3A : vector<1x256xi32> to vector<512x256xi32>
      %eq3A_72 = arith.cmpi eq, %eq3A, %eq3A_71 : vector<512x256xi32>
      %convert_element_type3A_73 = arith.extui %eq3A_72 : vector<512x256xi1> to vector<512x256xi32>
      %convert_element_type3A_74 = arith.sitofp %convert_element_type3A_73 : vector<512x256xi32> to vector<512x256xf32>
      %eq3A_75 = vector.broadcast %get3A_60 : vector<512x1xi32> to vector<512x256xi32>
      %eq3A_76 = vector.broadcast %iota3A : vector<1x256xi32> to vector<512x256xi32>
      %eq3A_77 = arith.cmpi eq, %eq3A_75, %eq3A_76 : vector<512x256xi32>
      %convert_element_type3A_78 = arith.extui %eq3A_77 : vector<512x256xi1> to vector<512x256xi32>
      %convert_element_type3A_79 = arith.sitofp %convert_element_type3A_78 : vector<512x256xi32> to vector<512x256xf32>
      %get3A_80 = arith.constant 0 : index
      %get3A_81 = arith.constant 0 : index
      %get3A_82 = vector.load %arg8[%get3A_80, %get3A_81] : memref<256x256xf32, #tpu.memory_space<vmem>>, vector<256x256xf32>
      %add3A_83 = arith.addf %add3A_22, %get3A_82 : vector<256x256xf32>
      %mul3A_84 = arith.constant 7.812500e-03 : f32
      %mul3A_85 = vector.broadcast %mul3A_84 : f32 to vector<256x256xf32>
      %mul3A_86 = arith.mulf %add3A_83, %mul3A_85 : vector<256x256xf32>
      %floor3A = math.floor %mul3A_86 : vector<256x256xf32>
      %mul3A_87 = arith.constant 1.280000e+02 : f32
      %mul3A_88 = vector.broadcast %mul3A_87 : f32 to vector<256x256xf32>
      %mul3A_89 = arith.mulf %floor3A, %mul3A_88 : vector<256x256xf32>
      %sub3A_90 = arith.subf %add3A_83, %mul3A_89 : vector<256x256xf32>
      %dot_general3A_91 = arith.constant dense<0.000000e+00> : vector<512x256xf32>
      %dot_general3A_92 = tpu.matmul %convert_element_type3A_79, %floor3A, %dot_general3A_91 {dimension_numbers = #tpu.dot_dimension_numbers<[1], [0], [0], [1], [0, 0, 1, 1], [], []>, transpose_lhs_hint = false} : vector<512x256xf32>, vector<256x256xf32>, vector<512x256xf32> -> vector<512x256xf32>
      %mul3A_93 = arith.constant 1.280000e+02 : f32
      %mul3A_94 = vector.broadcast %mul3A_93 : f32 to vector<512x256xf32>
      %mul3A_95 = arith.mulf %dot_general3A_92, %mul3A_94 : vector<512x256xf32>
      %dot_general3A_96 = arith.constant dense<0.000000e+00> : vector<512x256xf32>
      %dot_general3A_97 = tpu.matmul %convert_element_type3A_79, %sub3A_90, %dot_general3A_96 {dimension_numbers = #tpu.dot_dimension_numbers<[1], [0], [0], [1], [0, 0, 1, 1], [], []>, transpose_lhs_hint = false} : vector<512x256xf32>, vector<256x256xf32>, vector<512x256xf32> -> vector<512x256xf32>
      %add3A_98 = arith.addf %mul3A_95, %dot_general3A_97 : vector<512x256xf32>
      %mul3A_99 = arith.mulf %convert_element_type3A_74, %add3A_98 : vector<512x256xf32>
      %reduce_sum3A_100 = arith.constant dense<0.000000e+00> : vector<512xf32>
      %reduce_sum3A_101 = vector.multi_reduction <add>, %mul3A_99, %reduce_sum3A_100 [1] : vector<512x256xf32> to vector<512xf32>
      %broadcast_in_dim3A_102 = vector.shape_cast %reduce_sum3A_101 : vector<512xf32> to vector<512x1xf32>
      %eq3A_103 = vector.broadcast %get3A_55 : vector<512x1xi32> to vector<512x512xi32>
      %eq3A_104 = vector.broadcast %get3A_65 : vector<1x512xi32> to vector<512x512xi32>
      %eq3A_105 = arith.cmpi eq, %eq3A_103, %eq3A_104 : vector<512x512xi32>
      %eq3A_106 = vector.broadcast %get3A_60 : vector<512x1xi32> to vector<512x512xi32>
      %eq3A_107 = vector.broadcast %get3A_70 : vector<1x512xi32> to vector<512x512xi32>
      %eq3A_108 = arith.cmpi eq, %eq3A_106, %eq3A_107 : vector<512x512xi32>
      %and3A = arith.andi %eq3A_105, %eq3A_108 : vector<512x512xi1>
      %lt3A_109 = vector.broadcast %iota3A_44 : vector<1x512xi32> to vector<512x512xi32>
      %lt3A_110 = vector.broadcast %iota3A_43 : vector<512x1xi32> to vector<512x512xi32>
      %lt3A_111 = arith.cmpi slt, %lt3A_109, %lt3A_110 : vector<512x512xi32>
      %and3A_112 = arith.andi %and3A, %lt3A_111 : vector<512x512xi1>
      %convert_element_type3A_113 = arith.extui %and3A_112 : vector<512x512xi1> to vector<512x512xi32>
      %convert_element_type3A_114 = arith.sitofp %convert_element_type3A_113 : vector<512x512xi32> to vector<512x512xf32>
      %reduce_sum3A_115 = arith.constant dense<0.000000e+00> : vector<512xf32>
      %reduce_sum3A_116 = vector.multi_reduction <add>, %convert_element_type3A_114, %reduce_sum3A_115 [1] : vector<512x512xf32> to vector<512xf32>
      %broadcast_in_dim3A_117 = vector.shape_cast %reduce_sum3A_116 : vector<512xf32> to vector<512x1xf32>
      %add3A_118 = arith.addf %broadcast_in_dim3A_102, %broadcast_in_dim3A_117 : vector<512x1xf32>
      %convert_element_type3A_119 = arith.fptosi %add3A_118 : vector<512x1xf32> to vector<512x1xi32>
      %mul3A_120 = arith.constant 512 : i32
      %mul3A_121 = arith.muli %scan3A_50, %mul3A_120 : i32
      %swap3A_122 = arith.index_cast %mul3A_121 : i32 to index
      %swap3A_123 = arith.constant 0 : index
      %swap3A_124 = vector.load %arg4[%swap3A_122, %swap3A_123] : memref<16384x1xi32, #tpu.memory_space<vmem>>, vector<512x1xi32>
      tpu.vector_store %arg4[%swap3A_122, %swap3A_123], %convert_element_type3A_119 {strides = array<i32>} : memref<16384x1xi32, #tpu.memory_space<vmem>>, vector<512x1xi32>,
      %get3A_125 = arith.constant 0 : index
      %get3A_126 = arith.constant 0 : index
      %get3A_127 = vector.load %arg8[%get3A_125, %get3A_126] : memref<256x256xf32, #tpu.memory_space<vmem>>, vector<256x256xf32>
      %mul3A_128 = arith.constant 256 : i32
      %mul3A_129 = arith.muli %scan3A_50, %mul3A_128 : i32
      %get3A_130 = arith.index_cast %mul3A_129 : i32 to index
      %get3A_131 = arith.constant 0 : index
      %get3A_132 = vector.load %arg9[%get3A_130, %get3A_131] : memref<8192x256xf32, #tpu.memory_space<vmem>>, vector<256x256xf32>
      %add3A_133 = arith.addf %get3A_127, %get3A_132 : vector<256x256xf32>
      %swap3A_134 = arith.constant 0 : index
      %swap3A_135 = arith.constant 0 : index
      %swap3A_136 = vector.load %arg8[%swap3A_134, %swap3A_135] : memref<256x256xf32, #tpu.memory_space<vmem>>, vector<256x256xf32>
      tpu.vector_store %arg8[%swap3A_134, %swap3A_135], %add3A_133 {strides = array<i32>} : memref<256x256xf32, #tpu.memory_space<vmem>>, vector<256x256xf32>,
    }
    %scan3A_49 = arith.constant 32 : i32
    return
  }
}

module attributes {stable_mosaic.version = 14 : i64} {
  func.func @_pair2_body(%arg0: i32, %arg1: memref<256xi32, #tpu.memory_space<smem>>, %arg2: memref<1x512xf32, #tpu.memory_space<vmem>>, %arg3: memref<1x512xf32, #tpu.memory_space<vmem>>, %arg4: memref<1x512xf32, #tpu.memory_space<vmem>>, %arg5: memref<16640x1xf32, #tpu.memory_space<vmem>>, %arg6: memref<16640x1xf32, #tpu.memory_space<vmem>>, %arg7: memref<16640x1xf32, #tpu.memory_space<vmem>>, %arg8: memref<1x512xf32, #tpu.memory_space<vmem>>) attributes {dimension_semantics = [#tpu.dimension_semantics<arbitrary>], iteration_bounds = array<i64: 32>, scalar_prefetch = 0 : i64, scratch_operands = 0 : i64, tpu.core_type = #tpu.core_type<tc>, window_params = [{transform_indices = @transform_0, window_bounds = array<i64: 256>}, {transform_indices = @transform_1, window_bounds = array<i64: 1, 512>}, {transform_indices = @transform_2, window_bounds = array<i64: 1, 512>}, {transform_indices = @transform_3, window_bounds = array<i64: 1, 512>}, {pipeline_mode = #tpu.pipeline_mode<synchronous>, transform_indices = @transform_4, window_bounds = array<i64: 16640, 1>}, {pipeline_mode = #tpu.pipeline_mode<synchronous>, transform_indices = @transform_5, window_bounds = array<i64: 16640, 1>}, {pipeline_mode = #tpu.pipeline_mode<synchronous>, transform_indices = @transform_6, window_bounds = array<i64: 16640, 1>}, {transform_indices = @transform_7, window_bounds = array<i64: 1, 512>}]} {
    %mul3A = arith.constant 512 : i32
    %mul3A_0 = arith.muli %arg0, %mul3A : i32
    %get3A = arith.constant 0 : index
    %get3A_1 = arith.constant 0 : index
    %get3A_2 = vector.load %arg3[%get3A, %get3A_1] : memref<1x512xf32, #tpu.memory_space<vmem>>, vector<1x512xf32>
    %get3A_3 = arith.constant 0 : index
    %get3A_4 = arith.constant 0 : index
    %get3A_5 = vector.load %arg2[%get3A_3, %get3A_4] : memref<1x512xf32, #tpu.memory_space<vmem>>, vector<1x512xf32>
    %get3A_6 = arith.constant 0 : index
    %get3A_7 = arith.constant 0 : index
    %get3A_8 = vector.load %arg4[%get3A_6, %get3A_7] : memref<1x512xf32, #tpu.memory_space<vmem>>, vector<1x512xf32>
    %reduce_max3A = vector.shape_cast %get3A_2 : vector<1x512xf32> to vector<1x1x512xf32>
    %reduce_max3A_9 = arith.constant dense<0xFF800000> : vector<1xf32>
    %reduce_max3A_10 = vector.multi_reduction <maximumf>, %reduce_max3A, %reduce_max3A_9 [1, 2] : vector<1x1x512xf32> to vector<1xf32>
    %reduce_max3A_11 = vector.shape_cast %reduce_max3A_10 : vector<1xf32> to vector<1x1x1xf32>
    %reduce_max3A_12 = vector.extract %reduce_max3A_11[0, 0, 0] : f32 from vector<1x1x1xf32>
    %convert_element_type3A = arith.fptosi %reduce_max3A_12 : f32 to i32
    %get3A_13 = arith.index_cast %convert_element_type3A : i32 to index
    %get3A_14 = memref.load %arg1[%get3A_13] : memref<256xi32, #tpu.memory_space<smem>>
    %sub3A = arith.subi %get3A_14, %mul3A_0 : i32
    %add3A = arith.constant 256 : i32
    %add3A_15 = arith.addi %sub3A, %add3A : i32
    %sub3A_16 = arith.constant 1 : i32
    %sub3A_17 = arith.subi %add3A_15, %sub3A_16 : i32
    %jit3A = arith.constant 256 : i32
    %div3A = arith.divsi %sub3A_17, %jit3A : i32
    %sign3A = arith.constant 0 : i32
    %sign3A_18 = arith.cmpi sgt, %sub3A_17, %sign3A : i32
    %sign3A_19 = arith.extui %sign3A_18 : i1 to i32
    %sign3A_20 = arith.constant 0 : i32
    %sign3A_21 = arith.cmpi slt, %sub3A_17, %sign3A_20 : i32
    %sign3A_22 = arith.extui %sign3A_21 : i1 to i32
    %sign3A_23 = arith.subi %sign3A_19, %sign3A_22 : i32
    %sign3A_24 = arith.constant 0 : i32
    %sign3A_25 = arith.cmpi sgt, %jit3A, %sign3A_24 : i32
    %sign3A_26 = arith.extui %sign3A_25 : i1 to i32
    %sign3A_27 = arith.constant 0 : i32
    %sign3A_28 = arith.cmpi slt, %jit3A, %sign3A_27 : i32
    %sign3A_29 = arith.extui %sign3A_28 : i1 to i32
    %sign3A_30 = arith.subi %sign3A_26, %sign3A_29 : i32
    %ne3A = arith.cmpi ne, %sign3A_23, %sign3A_30 : i32
    %rem3A = arith.remsi %sub3A_17, %jit3A : i32
    %ne3A_31 = arith.constant 0 : i32
    %ne3A_32 = arith.cmpi ne, %rem3A, %ne3A_31 : i32
    %and3A = arith.andi %ne3A, %ne3A_32 : i1
    %sub3A_33 = arith.constant 1 : i32
    %sub3A_34 = arith.subi %div3A, %sub3A_33 : i32
    %select_n3A = arith.select %and3A, %sub3A_34, %div3A : i32
    %add3A_35 = arith.constant 2.000000e-02 : f32
    %add3A_36 = vector.broadcast %add3A_35 : f32 to vector<1x512xf32>
    %add3A_37 = arith.addf %get3A_8, %add3A_36 : vector<1x512xf32>
    %broadcast_in_dim3A = arith.constant 0.000000e+00 : f32
    %broadcast_in_dim3A_38 = vector.broadcast %broadcast_in_dim3A : f32 to vector<1x512xf32>
    %while3A = arith.constant 0 : i32
    %while3A_39 = arith.subi %select_n3A, %while3A : i32
    %while3A_40 = arith.addi %while3A, %while3A_39 : i32
    %while3A_41 = arith.constant 1 : i32
    %while3A_42 = arith.divsi %while3A_39, %while3A_41 : i32
    %while3A_43 = arith.muli %while3A_42, %while3A_41 : i32
    %while3A_44 = arith.addi %while3A, %while3A_43 : i32
    %while3A_45 = arith.constant 1 : i32
    %while3A_46 = scf.for %while3A_51 = %while3A to %while3A_44 step %while3A_45 iter_args(%while3A_52 = %broadcast_in_dim3A_38) -> (vector<1x512xf32>)  : i32 {
      %mul3A_53 = arith.constant 256 : i32
      %mul3A_54 = arith.muli %while3A_51, %mul3A_53 : i32
      %add3A_55 = arith.addi %mul3A_0, %mul3A_54 : i32
      %get3A_56 = arith.index_cast %add3A_55 : i32 to index
      %get3A_57 = arith.constant 0 : index
      %get3A_58 = vector.load %arg5[%get3A_56, %get3A_57] : memref<16640x1xf32, #tpu.memory_space<vmem>>, vector<256x1xf32>
      %get3A_59 = arith.index_cast %add3A_55 : i32 to index
      %get3A_60 = arith.constant 0 : index
      %get3A_61 = vector.load %arg6[%get3A_59, %get3A_60] : memref<16640x1xf32, #tpu.memory_space<vmem>>, vector<256x1xf32>
      %get3A_62 = arith.index_cast %add3A_55 : i32 to index
      %get3A_63 = arith.constant 0 : index
      %get3A_64 = vector.load %arg7[%get3A_62, %get3A_63] : memref<16640x1xf32, #tpu.memory_space<vmem>>, vector<256x1xf32>
      %eq3A = vector.broadcast %get3A_61 : vector<256x1xf32> to vector<256x512xf32>
      %eq3A_65 = vector.broadcast %get3A_2 : vector<1x512xf32> to vector<256x512xf32>
      %eq3A_66 = arith.cmpf oeq, %eq3A, %eq3A_65 : vector<256x512xf32>
      %gt3A = vector.broadcast %get3A_58 : vector<256x1xf32> to vector<256x512xf32>
      %gt3A_67 = vector.broadcast %get3A_5 : vector<1x512xf32> to vector<256x512xf32>
      %gt3A_68 = arith.cmpf ogt, %gt3A, %gt3A_67 : vector<256x512xf32>
      %and3A_69 = arith.andi %eq3A_66, %gt3A_68 : vector<256x512xi1>
      %sub3A_70 = vector.broadcast %add3A_37 : vector<1x512xf32> to vector<256x512xf32>
      %sub3A_71 = vector.broadcast %get3A_64 : vector<256x1xf32> to vector<256x512xf32>
      %sub3A_72 = arith.subf %sub3A_70, %sub3A_71 : vector<256x512xf32>
      %max3A = arith.constant 0.000000e+00 : f32
      %max3A_73 = vector.broadcast %max3A : f32 to vector<256x512xf32>
      %max3A_74 = arith.maximumf %sub3A_72, %max3A_73 : vector<256x512xf32>
      %jit3A_75 = arith.constant 0.000000e+00 : f32
      %broadcast_in_dim3A_76 = vector.broadcast %jit3A_75 : f32 to vector<256x512xf32>
      %select_n3A_77 = arith.select %and3A_69, %max3A_74, %broadcast_in_dim3A_76 : vector<256x512xi1>, vector<256x512xf32>
      %reduce_sum3A = arith.constant dense<0.000000e+00> : vector<512xf32>
      %reduce_sum3A_78 = vector.multi_reduction <add>, %select_n3A_77, %reduce_sum3A [0] : vector<256x512xf32> to vector<512xf32>
      %broadcast_in_dim3A_79 = vector.shape_cast %reduce_sum3A_78 : vector<512xf32> to vector<1x512xf32>
      %add3A_80 = arith.addf %while3A_52, %broadcast_in_dim3A_79 : vector<1x512xf32>
      scf.yield %add3A_80 : vector<1x512xf32>
    }
    %while3A_47 = arith.constant 1 : i32
    %while3A_48 = scf.for %while3A_51 = %while3A_44 to %while3A_40 step %while3A_47 iter_args(%while3A_52 = %while3A_46) -> (vector<1x512xf32>)  : i32 {
      %mul3A_53 = arith.constant 256 : i32
      %mul3A_54 = arith.muli %while3A_51, %mul3A_53 : i32
      %add3A_55 = arith.addi %mul3A_0, %mul3A_54 : i32
      %get3A_56 = arith.index_cast %add3A_55 : i32 to index
      %get3A_57 = arith.constant 0 : index
      %get3A_58 = vector.load %arg5[%get3A_56, %get3A_57] : memref<16640x1xf32, #tpu.memory_space<vmem>>, vector<256x1xf32>
      %get3A_59 = arith.index_cast %add3A_55 : i32 to index
      %get3A_60 = arith.constant 0 : index
      %get3A_61 = vector.load %arg6[%get3A_59, %get3A_60] : memref<16640x1xf32, #tpu.memory_space<vmem>>, vector<256x1xf32>
      %get3A_62 = arith.index_cast %add3A_55 : i32 to index
      %get3A_63 = arith.constant 0 : index
      %get3A_64 = vector.load %arg7[%get3A_62, %get3A_63] : memref<16640x1xf32, #tpu.memory_space<vmem>>, vector<256x1xf32>
      %eq3A = vector.broadcast %get3A_61 : vector<256x1xf32> to vector<256x512xf32>
      %eq3A_65 = vector.broadcast %get3A_2 : vector<1x512xf32> to vector<256x512xf32>
      %eq3A_66 = arith.cmpf oeq, %eq3A, %eq3A_65 : vector<256x512xf32>
      %gt3A = vector.broadcast %get3A_58 : vector<256x1xf32> to vector<256x512xf32>
      %gt3A_67 = vector.broadcast %get3A_5 : vector<1x512xf32> to vector<256x512xf32>
      %gt3A_68 = arith.cmpf ogt, %gt3A, %gt3A_67 : vector<256x512xf32>
      %and3A_69 = arith.andi %eq3A_66, %gt3A_68 : vector<256x512xi1>
      %sub3A_70 = vector.broadcast %add3A_37 : vector<1x512xf32> to vector<256x512xf32>
      %sub3A_71 = vector.broadcast %get3A_64 : vector<256x1xf32> to vector<256x512xf32>
      %sub3A_72 = arith.subf %sub3A_70, %sub3A_71 : vector<256x512xf32>
      %max3A = arith.constant 0.000000e+00 : f32
      %max3A_73 = vector.broadcast %max3A : f32 to vector<256x512xf32>
      %max3A_74 = arith.maximumf %sub3A_72, %max3A_73 : vector<256x512xf32>
      %jit3A_75 = arith.constant 0.000000e+00 : f32
      %broadcast_in_dim3A_76 = vector.broadcast %jit3A_75 : f32 to vector<256x512xf32>
      %select_n3A_77 = arith.select %and3A_69, %max3A_74, %broadcast_in_dim3A_76 : vector<256x512xi1>, vector<256x512xf32>
      %reduce_sum3A = arith.constant dense<0.000000e+00> : vector<512xf32>
      %reduce_sum3A_78 = vector.multi_reduction <add>, %select_n3A_77, %reduce_sum3A [0] : vector<256x512xf32> to vector<512xf32>
      %broadcast_in_dim3A_79 = vector.shape_cast %reduce_sum3A_78 : vector<512xf32> to vector<1x512xf32>
      %add3A_80 = arith.addf %while3A_52, %broadcast_in_dim3A_79 : vector<1x512xf32>
      scf.yield %add3A_80 : vector<1x512xf32>
    }
    %swap3A = arith.constant 0 : index
    %swap3A_49 = arith.constant 0 : index
    %swap3A_50 = vector.load %arg8[%swap3A, %swap3A_49] : memref<1x512xf32, #tpu.memory_space<vmem>>, vector<1x512xf32>
    tpu.vector_store %arg8[%swap3A, %swap3A_49], %while3A_48 {strides = array<i32>} : memref<1x512xf32, #tpu.memory_space<vmem>>, vector<1x512xf32>,
    return
  }
  func.func @transform_0(%arg0: i32) -> i32 {
    %c0_i32 = arith.constant 0 : i32
    %c0_i32_0 = arith.constant 0 : i32
    return %c0_i32 : i32
  }
  func.func @transform_1(%arg0: i32) -> (i32, i32) {
    %c0_i32 = arith.constant 0 : i32
    %c0_i32_0 = arith.constant 0 : i32
    return %c0_i32, %arg0 : i32, i32
  }
  func.func @transform_2(%arg0: i32) -> (i32, i32) {
    %c0_i32 = arith.constant 0 : i32
    %c0_i32_0 = arith.constant 0 : i32
    return %c0_i32, %arg0 : i32, i32
  }
  func.func @transform_3(%arg0: i32) -> (i32, i32) {
    %c0_i32 = arith.constant 0 : i32
    %c0_i32_0 = arith.constant 0 : i32
    return %c0_i32, %arg0 : i32, i32
  }
  func.func @transform_4(%arg0: i32) -> (i32, i32) {
    %c0_i32 = arith.constant 0 : i32
    %c0_i32_0 = arith.constant 0 : i32
    %c0_i32_1 = arith.constant 0 : i32
    return %c0_i32, %c0_i32_0 : i32, i32
  }
  func.func @transform_5(%arg0: i32) -> (i32, i32) {
    %c0_i32 = arith.constant 0 : i32
    %c0_i32_0 = arith.constant 0 : i32
    %c0_i32_1 = arith.constant 0 : i32
    return %c0_i32, %c0_i32_0 : i32, i32
  }
  func.func @transform_6(%arg0: i32) -> (i32, i32) {
    %c0_i32 = arith.constant 0 : i32
    %c0_i32_0 = arith.constant 0 : i32
    %c0_i32_1 = arith.constant 0 : i32
    return %c0_i32, %c0_i32_0 : i32, i32
  }
  func.func @transform_7(%arg0: i32) -> (i32, i32) {
    %c0_i32 = arith.constant 0 : i32
    %c0_i32_0 = arith.constant 0 : i32
    return %c0_i32, %arg0 : i32, i32
  }
}

module attributes {stable_mosaic.version = 14 : i64} {
  func.func @_final_body(%arg0: memref<1x16384xi32, #tpu.memory_space<vmem>>, %arg1: memref<1x16384xf32, #tpu.memory_space<vmem>>, %arg2: memref<1x16384xf32, #tpu.memory_space<vmem>>, %arg3: memref<1x16384xf32, #tpu.memory_space<vmem>>, %arg4: memref<1x16384xf32, #tpu.memory_space<vmem>>, %arg5: memref<1x16384xf32, #tpu.memory_space<vmem>>, %arg6: memref<1x256xf32, #tpu.memory_space<vmem>>, %arg7: memref<16384x1xi32, #tpu.memory_space<vmem>>, %arg8: memref<1x1xf32, #tpu.memory_space<vmem>>, %arg9: memref<1x1xf32, #tpu.memory_space<vmem>>) attributes {dimension_semantics = [], scalar_prefetch = 0 : i64, scratch_operands = 0 : i64, tpu.core_type = #tpu.core_type<tc>} {
    %get3A = arith.constant 0 : index
    %get3A_0 = arith.constant 0 : index
    %get3A_1 = vector.load %arg0[%get3A, %get3A_0] : memref<1x16384xi32, #tpu.memory_space<vmem>>, vector<1x16384xi32>
    %get3A_2 = arith.constant 0 : index
    %get3A_3 = arith.constant 0 : index
    %get3A_4 = vector.load %arg1[%get3A_2, %get3A_3] : memref<1x16384xf32, #tpu.memory_space<vmem>>, vector<1x16384xf32>
    %eq3A = arith.constant 0 : i32
    %eq3A_5 = vector.broadcast %eq3A : i32 to vector<1x16384xi32>
    %eq3A_6 = arith.cmpi eq, %get3A_1, %eq3A_5 : vector<1x16384xi32>
    %convert_element_type3A = arith.extui %eq3A_6 : vector<1x16384xi1> to vector<1x16384xi32>
    %convert_element_type3A_7 = arith.sitofp %convert_element_type3A : vector<1x16384xi32> to vector<1x16384xf32>
    %eq3A_8 = arith.constant 1 : i32
    %eq3A_9 = vector.broadcast %eq3A_8 : i32 to vector<1x16384xi32>
    %eq3A_10 = arith.cmpi eq, %get3A_1, %eq3A_9 : vector<1x16384xi32>
    %convert_element_type3A_11 = arith.extui %eq3A_10 : vector<1x16384xi1> to vector<1x16384xi32>
    %convert_element_type3A_12 = arith.sitofp %convert_element_type3A_11 : vector<1x16384xi32> to vector<1x16384xf32>
    %reduce_sum3A = vector.shape_cast %convert_element_type3A_7 : vector<1x16384xf32> to vector<1x1x16384xf32>
    %reduce_sum3A_13 = arith.constant dense<0.000000e+00> : vector<1xf32>
    %reduce_sum3A_14 = vector.multi_reduction <add>, %reduce_sum3A, %reduce_sum3A_13 [1, 2] : vector<1x1x16384xf32> to vector<1xf32>
    %reduce_sum3A_15 = vector.shape_cast %reduce_sum3A_14 : vector<1xf32> to vector<1x1x1xf32>
    %reduce_sum3A_16 = vector.extract %reduce_sum3A_15[0, 0, 0] : f32 from vector<1x1x1xf32>
    %reduce_sum3A_17 = vector.shape_cast %convert_element_type3A_12 : vector<1x16384xf32> to vector<1x1x16384xf32>
    %reduce_sum3A_18 = arith.constant dense<0.000000e+00> : vector<1xf32>
    %reduce_sum3A_19 = vector.multi_reduction <add>, %reduce_sum3A_17, %reduce_sum3A_18 [1, 2] : vector<1x1x16384xf32> to vector<1xf32>
    %reduce_sum3A_20 = vector.shape_cast %reduce_sum3A_19 : vector<1xf32> to vector<1x1x1xf32>
    %reduce_sum3A_21 = vector.extract %reduce_sum3A_20[0, 0, 0] : f32 from vector<1x1x1xf32>
    %mul3A = arith.mulf %convert_element_type3A_7, %get3A_4 : vector<1x16384xf32>
    %reduce_sum3A_22 = vector.shape_cast %mul3A : vector<1x16384xf32> to vector<1x1x16384xf32>
    %reduce_sum3A_23 = arith.constant dense<0.000000e+00> : vector<1xf32>
    %reduce_sum3A_24 = vector.multi_reduction <add>, %reduce_sum3A_22, %reduce_sum3A_23 [1, 2] : vector<1x1x16384xf32> to vector<1xf32>
    %reduce_sum3A_25 = vector.shape_cast %reduce_sum3A_24 : vector<1xf32> to vector<1x1x1xf32>
    %reduce_sum3A_26 = vector.extract %reduce_sum3A_25[0, 0, 0] : f32 from vector<1x1x1xf32>
    %max3A = arith.constant 1.000000e+00 : f32
    %max3A_27 = arith.maximumf %reduce_sum3A_16, %max3A : f32
    %div3A = arith.divf %reduce_sum3A_26, %max3A_27 : f32
    %mul3A_28 = arith.mulf %convert_element_type3A_12, %get3A_4 : vector<1x16384xf32>
    %reduce_sum3A_29 = vector.shape_cast %mul3A_28 : vector<1x16384xf32> to vector<1x1x16384xf32>
    %reduce_sum3A_30 = arith.constant dense<0.000000e+00> : vector<1xf32>
    %reduce_sum3A_31 = vector.multi_reduction <add>, %reduce_sum3A_29, %reduce_sum3A_30 [1, 2] : vector<1x1x16384xf32> to vector<1xf32>
    %reduce_sum3A_32 = vector.shape_cast %reduce_sum3A_31 : vector<1xf32> to vector<1x1x1xf32>
    %reduce_sum3A_33 = vector.extract %reduce_sum3A_32[0, 0, 0] : f32 from vector<1x1x1xf32>
    %max3A_34 = arith.constant 1.000000e+00 : f32
    %max3A_35 = arith.maximumf %reduce_sum3A_21, %max3A_34 : f32
    %div3A_36 = arith.divf %reduce_sum3A_33, %max3A_35 : f32
    %gt3A = arith.constant 0.000000e+00 : f32
    %gt3A_37 = arith.cmpf ogt, %reduce_sum3A_16, %gt3A : f32
    %gt3A_38 = arith.constant 0.000000e+00 : f32
    %gt3A_39 = arith.cmpf ogt, %reduce_sum3A_21, %gt3A_38 : f32
    %and3A = arith.andi %gt3A_37, %gt3A_39 : i1
    %add3A = arith.constant 2.000000e+00 : f32
    %add3A_40 = arith.addf %add3A, %div3A : f32
    %sub3A = arith.subf %add3A_40, %div3A_36 : f32
    %max3A_41 = arith.constant 0.000000e+00 : f32
    %max3A_42 = arith.maximumf %sub3A, %max3A_41 : f32
    %jit3A = arith.constant 0.000000e+00 : f32
    %select_n3A = arith.select %and3A, %max3A_42, %jit3A : f32
    %reshape3A = vector.broadcast %select_n3A : f32 to vector<1x1xf32>
    %swap3A = arith.constant 0 : index
    %swap3A_43 = arith.constant 0 : index
    %swap3A_44 = vector.load %arg8[%swap3A, %swap3A_43] : memref<1x1xf32, #tpu.memory_space<vmem>>, vector<1x1xf32>
    tpu.vector_store %arg8[%swap3A, %swap3A_43], %reshape3A {strides = array<i32>} : memref<1x1xf32, #tpu.memory_space<vmem>>, vector<1x1xf32>,
    %get3A_45 = arith.constant 0 : index
    %get3A_46 = arith.constant 0 : index
    %get3A_47 = vector.load %arg2[%get3A_45, %get3A_46] : memref<1x16384xf32, #tpu.memory_space<vmem>>, vector<1x16384xf32>
    %get3A_48 = arith.constant 0 : index
    %get3A_49 = arith.constant 0 : index
    %get3A_50 = vector.load %arg3[%get3A_48, %get3A_49] : memref<1x16384xf32, #tpu.memory_space<vmem>>, vector<1x16384xf32>
    %get3A_51 = arith.constant 0 : index
    %get3A_52 = arith.constant 0 : index
    %get3A_53 = vector.load %arg4[%get3A_51, %get3A_52] : memref<1x16384xf32, #tpu.memory_space<vmem>>, vector<1x16384xf32>
    %broadcast_in_dim3A = arith.constant -1.000000e+00 : f32
    %broadcast_in_dim3A_54 = vector.broadcast %broadcast_in_dim3A : f32 to vector<1x1xf32>
    %slice3A = vector.extract_strided_slice %get3A_50 {offsets = [0, 1], sizes = [1, 16383], strides = [1, 1]} : vector<1x16384xf32> to vector<1x16383xf32>
    %concatenate3A = tpu.concatenate %slice3A, %broadcast_in_dim3A_54 in 1 : vector<1x16383xf32>, vector<1x1xf32> -> vector<1x16384xf32>
    %slice3A_55 = vector.extract_strided_slice %get3A_53 {offsets = [0, 1], sizes = [1, 16383], strides = [1, 1]} : vector<1x16384xf32> to vector<1x16383xf32>
    %concatenate3A_56 = tpu.concatenate %slice3A_55, %broadcast_in_dim3A_54 in 1 : vector<1x16383xf32>, vector<1x1xf32> -> vector<1x16384xf32>
    %eq3A_57 = arith.cmpf oeq, %concatenate3A, %get3A_50 : vector<1x16384xf32>
    %sub3A_58 = arith.subf %get3A_53, %concatenate3A_56 : vector<1x16384xf32>
    %add3A_59 = arith.constant 2.000000e-02 : f32
    %add3A_60 = vector.broadcast %add3A_59 : f32 to vector<1x16384xf32>
    %add3A_61 = arith.addf %sub3A_58, %add3A_60 : vector<1x16384xf32>
    %max3A_62 = arith.constant 0.000000e+00 : f32
    %max3A_63 = vector.broadcast %max3A_62 : f32 to vector<1x16384xf32>
    %max3A_64 = arith.maximumf %add3A_61, %max3A_63 : vector<1x16384xf32>
    %jit3A_65 = arith.constant 0.000000e+00 : f32
    %broadcast_in_dim3A_66 = vector.broadcast %jit3A_65 : f32 to vector<1x16384xf32>
    %select_n3A_67 = arith.select %eq3A_57, %max3A_64, %broadcast_in_dim3A_66 : vector<1x16384xi1>, vector<1x16384xf32>
    %broadcast_in_dim3A_68 = arith.constant 1.000000e+00 : f32
    %broadcast_in_dim3A_69 = vector.broadcast %broadcast_in_dim3A_68 : f32 to vector<1x16384xf32>
    %mul3A_70 = arith.mulf %get3A_47, %get3A_47 : vector<1x16384xf32>
    %mul3A_71 = arith.mulf %get3A_53, %get3A_53 : vector<1x16384xf32>
    %mul3A_72 = arith.mulf %get3A_47, %get3A_53 : vector<1x16384xf32>
    %get3A_73 = arith.constant 0 : index
    %get3A_74 = arith.constant 0 : index
    %get3A_75 = vector.load %arg5[%get3A_73, %get3A_74] : memref<1x16384xf32, #tpu.memory_space<vmem>>, vector<1x16384xf32>
    %concatenate3A_76 = tpu.concatenate %broadcast_in_dim3A_69, %get3A_47, %get3A_53, %mul3A_70, %mul3A_71, %mul3A_72, %get3A_75, %select_n3A_67 in 0 : vector<1x16384xf32>, vector<1x16384xf32>, vector<1x16384xf32>, vector<1x16384xf32>, vector<1x16384xf32>, vector<1x16384xf32>, vector<1x16384xf32>, vector<1x16384xf32> -> vector<8x16384xf32>
    %get3A_77 = arith.constant 0 : index
    %get3A_78 = arith.constant 0 : index
    %get3A_79 = vector.load %arg7[%get3A_77, %get3A_78] : memref<16384x1xi32, #tpu.memory_space<vmem>>, vector<16384x1xi32>
    %iota3A = tpu.iota {dimensions = array<i32: 1>} : vector<1x256xi32>
    %eq3A_80 = vector.broadcast %get3A_79 : vector<16384x1xi32> to vector<16384x256xi32>
    %eq3A_81 = vector.broadcast %iota3A : vector<1x256xi32> to vector<16384x256xi32>
    %eq3A_82 = arith.cmpi eq, %eq3A_80, %eq3A_81 : vector<16384x256xi32>
    %convert_element_type3A_83 = arith.extui %eq3A_82 : vector<16384x256xi1> to vector<16384x256xi32>
    %convert_element_type3A_84 = arith.sitofp %convert_element_type3A_83 : vector<16384x256xi32> to vector<16384x256xf32>
    %dot_general3A = arith.constant dense<0.000000e+00> : vector<8x256xf32>
    %dot_general3A_85 = tpu.matmul %concatenate3A_76, %convert_element_type3A_84, %dot_general3A {dimension_numbers = #tpu.dot_dimension_numbers<[1], [0], [0], [1], [0, 0, 1, 1], [], []>, precision = #tpu.contract_precision<fp32>, transpose_lhs_hint = false} : vector<8x16384xf32>, vector<16384x256xf32>, vector<8x256xf32> -> vector<8x256xf32>
    %slice3A_86 = vector.extract_strided_slice %dot_general3A_85 {offsets = [0, 0], sizes = [1, 256], strides = [1, 1]} : vector<8x256xf32> to vector<1x256xf32>
    %slice3A_87 = vector.extract_strided_slice %dot_general3A_85 {offsets = [1, 0], sizes = [1, 256], strides = [1, 1]} : vector<8x256xf32> to vector<1x256xf32>
    %slice3A_88 = vector.extract_strided_slice %dot_general3A_85 {offsets = [2, 0], sizes = [1, 256], strides = [1, 1]} : vector<8x256xf32> to vector<1x256xf32>
    %slice3A_89 = vector.extract_strided_slice %dot_general3A_85 {offsets = [3, 0], sizes = [1, 256], strides = [1, 1]} : vector<8x256xf32> to vector<1x256xf32>
    %slice3A_90 = vector.extract_strided_slice %dot_general3A_85 {offsets = [4, 0], sizes = [1, 256], strides = [1, 1]} : vector<8x256xf32> to vector<1x256xf32>
    %slice3A_91 = vector.extract_strided_slice %dot_general3A_85 {offsets = [5, 0], sizes = [1, 256], strides = [1, 1]} : vector<8x256xf32> to vector<1x256xf32>
    %slice3A_92 = vector.extract_strided_slice %dot_general3A_85 {offsets = [6, 0], sizes = [1, 256], strides = [1, 1]} : vector<8x256xf32> to vector<1x256xf32>
    %slice3A_93 = vector.extract_strided_slice %dot_general3A_85 {offsets = [7, 0], sizes = [1, 256], strides = [1, 1]} : vector<8x256xf32> to vector<1x256xf32>
    %get3A_94 = arith.constant 0 : index
    %get3A_95 = arith.constant 0 : index
    %get3A_96 = vector.load %arg6[%get3A_94, %get3A_95] : memref<1x256xf32, #tpu.memory_space<vmem>>, vector<1x256xf32>
    %max3A_97 = arith.constant 1.000000e+00 : f32
    %max3A_98 = vector.broadcast %max3A_97 : f32 to vector<1x256xf32>
    %max3A_99 = arith.maximumf %slice3A_86, %max3A_98 : vector<1x256xf32>
    %sub3A_100 = arith.constant 1.000000e+00 : f32
    %sub3A_101 = vector.broadcast %sub3A_100 : f32 to vector<1x256xf32>
    %sub3A_102 = arith.subf %slice3A_86, %sub3A_101 : vector<1x256xf32>
    %max3A_103 = arith.constant 1.000000e+00 : f32
    %max3A_104 = vector.broadcast %max3A_103 : f32 to vector<1x256xf32>
    %max3A_105 = arith.maximumf %sub3A_102, %max3A_104 : vector<1x256xf32>
    %div3A_106 = arith.divf %slice3A_87, %max3A_99 : vector<1x256xf32>
    %div3A_107 = arith.divf %slice3A_88, %max3A_99 : vector<1x256xf32>
    %mul3A_108 = arith.mulf %slice3A_86, %div3A_106 : vector<1x256xf32>
    %mul3A_109 = arith.mulf %mul3A_108, %div3A_106 : vector<1x256xf32>
    %sub3A_110 = arith.subf %slice3A_89, %mul3A_109 : vector<1x256xf32>
    %max3A_111 = arith.constant 0.000000e+00 : f32
    %max3A_112 = vector.broadcast %max3A_111 : f32 to vector<1x256xf32>
    %max3A_113 = arith.maximumf %sub3A_110, %max3A_112 : vector<1x256xf32>
    %mul3A_114 = arith.mulf %slice3A_86, %div3A_107 : vector<1x256xf32>
    %mul3A_115 = arith.mulf %mul3A_114, %div3A_107 : vector<1x256xf32>
    %sub3A_116 = arith.subf %slice3A_90, %mul3A_115 : vector<1x256xf32>
    %max3A_117 = arith.constant 0.000000e+00 : f32
    %max3A_118 = vector.broadcast %max3A_117 : f32 to vector<1x256xf32>
    %max3A_119 = arith.maximumf %sub3A_116, %max3A_118 : vector<1x256xf32>
    %mul3A_120 = arith.mulf %slice3A_86, %div3A_106 : vector<1x256xf32>
    %mul3A_121 = arith.mulf %mul3A_120, %div3A_107 : vector<1x256xf32>
    %sub3A_122 = arith.subf %slice3A_91, %mul3A_121 : vector<1x256xf32>
    %div3A_123 = arith.divf %max3A_113, %max3A_105 : vector<1x256xf32>
    %sqrt3A = math.sqrt %div3A_123 : vector<1x256xf32>
    %div3A_124 = arith.divf %max3A_119, %max3A_105 : vector<1x256xf32>
    %sqrt3A_125 = math.sqrt %div3A_124 : vector<1x256xf32>
    %add3A_126 = arith.constant 9.99999997E-7 : f32
    %add3A_127 = vector.broadcast %add3A_126 : f32 to vector<1x256xf32>
    %add3A_128 = arith.addf %sqrt3A, %add3A_127 : vector<1x256xf32>
    %div3A_129 = arith.constant 1.000000e+00 : f32
    %div3A_130 = vector.broadcast %div3A_129 : f32 to vector<1x256xf32>
    %div3A_131 = arith.divf %div3A_130, %add3A_128 : vector<1x256xf32>
    %add3A_132 = arith.constant 9.99999997E-7 : f32
    %add3A_133 = vector.broadcast %add3A_132 : f32 to vector<1x256xf32>
    %add3A_134 = arith.addf %sqrt3A_125, %add3A_133 : vector<1x256xf32>
    %div3A_135 = arith.constant 1.000000e+00 : f32
    %div3A_136 = vector.broadcast %div3A_135 : f32 to vector<1x256xf32>
    %div3A_137 = arith.divf %div3A_136, %add3A_134 : vector<1x256xf32>
    %mul3A_138 = arith.mulf %max3A_113, %div3A_131 : vector<1x256xf32>
    %mul3A_139 = arith.mulf %mul3A_138, %div3A_131 : vector<1x256xf32>
    %mul3A_140 = arith.constant 2.000000e+00 : f32
    %mul3A_141 = vector.broadcast %mul3A_140 : f32 to vector<1x256xf32>
    %mul3A_142 = arith.mulf %mul3A_141, %sub3A_122 : vector<1x256xf32>
    %mul3A_143 = arith.mulf %mul3A_142, %div3A_131 : vector<1x256xf32>
    %mul3A_144 = arith.mulf %mul3A_143, %div3A_137 : vector<1x256xf32>
    %sub3A_145 = arith.subf %mul3A_139, %mul3A_144 : vector<1x256xf32>
    %mul3A_146 = arith.mulf %max3A_119, %div3A_137 : vector<1x256xf32>
    %mul3A_147 = arith.mulf %mul3A_146, %div3A_137 : vector<1x256xf32>
    %add3A_148 = arith.addf %sub3A_145, %mul3A_147 : vector<1x256xf32>
    %div3A_149 = arith.divf %add3A_148, %max3A_99 : vector<1x256xf32>
    %gt3A_150 = arith.constant 0.000000e+00 : f32
    %gt3A_151 = vector.broadcast %gt3A_150 : f32 to vector<1x256xf32>
    %gt3A_152 = arith.cmpf ogt, %sqrt3A, %gt3A_151 : vector<1x256xf32>
    %gt3A_153 = arith.constant 0.000000e+00 : f32
    %gt3A_154 = vector.broadcast %gt3A_153 : f32 to vector<1x256xf32>
    %gt3A_155 = arith.cmpf ogt, %sqrt3A_125, %gt3A_154 : vector<1x256xf32>
    %and3A_156 = arith.andi %gt3A_152, %gt3A_155 : vector<1x256xi1>
    %jit3A_157 = arith.constant 0.000000e+00 : f32
    %broadcast_in_dim3A_158 = vector.broadcast %jit3A_157 : f32 to vector<1x256xf32>
    %select_n3A_159 = arith.select %and3A_156, %div3A_149, %broadcast_in_dim3A_158 : vector<1x256xi1>, vector<1x256xf32>
    %div3A_160 = arith.divf %slice3A_93, %max3A_105 : vector<1x256xf32>
    %gt3A_161 = arith.constant 0.000000e+00 : f32
    %gt3A_162 = vector.broadcast %gt3A_161 : f32 to vector<1x256xf32>
    %gt3A_163 = arith.cmpf ogt, %get3A_96, %gt3A_162 : vector<1x256xf32>
    %max3A_164 = arith.constant 1.000000e+00 : f32
    %max3A_165 = vector.broadcast %max3A_164 : f32 to vector<1x256xf32>
    %max3A_166 = arith.maximumf %get3A_96, %max3A_165 : vector<1x256xf32>
    %div3A_167 = arith.divf %slice3A_92, %max3A_166 : vector<1x256xf32>
    %jit3A_168 = arith.constant 0.000000e+00 : f32
    %broadcast_in_dim3A_169 = vector.broadcast %jit3A_168 : f32 to vector<1x256xf32>
    %select_n3A_170 = arith.select %gt3A_163, %div3A_167, %broadcast_in_dim3A_169 : vector<1x256xi1>, vector<1x256xf32>
    %add3A_171 = arith.addf %select_n3A_159, %div3A_160 : vector<1x256xf32>
    %add3A_172 = arith.addf %add3A_171, %select_n3A_170 : vector<1x256xf32>
    %ge3A = arith.constant 2.000000e+00 : f32
    %ge3A_173 = vector.broadcast %ge3A : f32 to vector<1x256xf32>
    %ge3A_174 = arith.cmpf oge, %slice3A_86, %ge3A_173 : vector<1x256xf32>
    %jit3A_175 = arith.constant 0.000000e+00 : f32
    %broadcast_in_dim3A_176 = vector.broadcast %jit3A_175 : f32 to vector<1x256xf32>
    %select_n3A_177 = arith.select %ge3A_174, %slice3A_86, %broadcast_in_dim3A_176 : vector<1x256xi1>, vector<1x256xf32>
    %reduce_sum3A_178 = vector.shape_cast %select_n3A_177 : vector<1x256xf32> to vector<1x1x256xf32>
    %reduce_sum3A_179 = arith.constant dense<0.000000e+00> : vector<1xf32>
    %reduce_sum3A_180 = vector.multi_reduction <add>, %reduce_sum3A_178, %reduce_sum3A_179 [1, 2] : vector<1x1x256xf32> to vector<1xf32>
    %reduce_sum3A_181 = vector.shape_cast %reduce_sum3A_180 : vector<1xf32> to vector<1x1x1xf32>
    %reduce_sum3A_182 = vector.extract %reduce_sum3A_181[0, 0, 0] : f32 from vector<1x1x1xf32>
    %max3A_183 = arith.constant 1.000000e+00 : f32
    %max3A_184 = arith.maximumf %reduce_sum3A_182, %max3A_183 : f32
    %div3A_185 = vector.broadcast %max3A_184 : f32 to vector<1x256xf32>
    %div3A_186 = arith.divf %select_n3A_177, %div3A_185 : vector<1x256xf32>
    %gt3A_187 = arith.constant 0.000000e+00 : f32
    %gt3A_188 = arith.cmpf ogt, %reduce_sum3A_182, %gt3A_187 : f32
    %mul3A_189 = arith.mulf %div3A_186, %add3A_172 : vector<1x256xf32>
    %jit3A_190 = arith.constant 0.000000e+00 : f32
    %broadcast_in_dim3A_191 = vector.broadcast %jit3A_190 : f32 to vector<1x256xf32>
    %select_n3A_192 = arith.select %ge3A_174, %mul3A_189, %broadcast_in_dim3A_191 : vector<1x256xi1>, vector<1x256xf32>
    %reduce_sum3A_193 = vector.shape_cast %select_n3A_192 : vector<1x256xf32> to vector<1x1x256xf32>
    %reduce_sum3A_194 = arith.constant dense<0.000000e+00> : vector<1xf32>
    %reduce_sum3A_195 = vector.multi_reduction <add>, %reduce_sum3A_193, %reduce_sum3A_194 [1, 2] : vector<1x1x256xf32> to vector<1xf32>
    %reduce_sum3A_196 = vector.shape_cast %reduce_sum3A_195 : vector<1xf32> to vector<1x1x1xf32>
    %reduce_sum3A_197 = vector.extract %reduce_sum3A_196[0, 0, 0] : f32 from vector<1x1x1xf32>
    %jit3A_198 = arith.constant 0.000000e+00 : f32
    %select_n3A_199 = arith.select %gt3A_188, %reduce_sum3A_197, %jit3A_198 : f32
    %reshape3A_200 = vector.broadcast %select_n3A_199 : f32 to vector<1x1xf32>
    %swap3A_201 = arith.constant 0 : index
    %swap3A_202 = arith.constant 0 : index
    %swap3A_203 = vector.load %arg9[%swap3A_201, %swap3A_202] : memref<1x1xf32, #tpu.memory_space<vmem>>, vector<1x1xf32>
    tpu.vector_store %arg9[%swap3A_201, %swap3A_202], %reshape3A_200 {strides = array<i32>} : memref<1x1xf32, #tpu.memory_space<vmem>>, vector<1x1xf32>,
    return
  }
}

</mosaic_0001>

<sc_bundles>
// kernel: kernel.7.cloned.1.call-start
scs
__scs_entry_jumppad:
0x0: {  	(pc) =	sbr.rel $0x88, $3  }
0x1: {  	(tag) =	ssettag $0x0;
	lr =	simm.s32 $0x1  }
0x2: {  	[smem:$0x3F9C] =	sst lr;
	_ =	strace $0xD0000000  }
0x3: {  	_ = 	snop  }
0x4: {  	_ = 	snop  }
0x5: {  	_ = 	snop  }
0x6: {  	_ = 	snop  }
0x7: {  	_ = 	snop  }
__scs_overlays_trampoline_lowered:
0x8: {  	[smem:$0x3FAB] =	sst s0  }
0x9: {  	[smem:$0x3FAC] =	sst s1  }
0xa: {  	[smem:$0x3FAD] =	sst s2  }
0xb: {  	[smem:$0x3FAE] =	sst s3  }
0xc: {  	[smem:$0x3FAF] =	sst s4  }
0xd: {  	[smem:$0x3FB0] =	sst s5  }
0xe: {  	[smem:$0x3FB1] =	sst s6  }
0xf: {  	[smem:$0x3FB2] =	sst s7  }
0x10: {  	[smem:$0x3FB3] =	sst s8  }
0x11: {  	[smem:$0x3FB4] =	sst s9;
	s0 =	simm.s32 @!p0 $0x0  }
0x12: {  	s1 =	sld [smem:$0x3F9A];
	s0 =	simm.s32 @p0 $0x1  }
0x13: {  	[smem:$0x3FB5] =	sst s0;
	s0 =	simm.s32 @!p1 $0x0  }
0x14: {  	s2 =	sld [smem:$0x3F99];
	s0 =	simm.s32 @p1 $0x1  }
0x15: {  	[smem:$0x3FB6] =	sst s0;
	s0 =	simm.s32 @!p2 $0x0  }
0x16: {  	s3 =	sld [smem:$0x3FDB];
	s0 =	simm.s32 @p2 $0x1  }
0x17: {  	s4 =	simm.s32 $0x1BF5;
	[smem:$0x3FB8] =	sst s0  }
0x18: {  	s0 =	sld [smem:$0x3F9B];
	_ =	swait.ge [sflag:s4], $0x0  }
0x19: {  	s7 =	sld [smem:$0x3F9C]  }
0x1a: {  	s8 =	sadd.s32 $0xFFFFE003, lr  }
0x1b: {  	s9 =	sadd.s32 $0xFFFFFEF7, lr;
	s5 =	simm.s32 $0xFFFFFFFF;
	p2 =	slt.u32 s8, $0xFFFFF086  }
0x1c: {  	p1 =	slt.u32 s9, $0xF7A;
	s5 =	simm.s32 @!p2 $0x0  }
0x1d: {  	s5 =	simm.s32 @p1 $0x1;
	p0 =	seq.s32 s7, s2  }
0x1e: {  	s7 =	smul.u32 @!p0 $0xF7A, s2;
	p2 =	seq.s32 @!p0 s5, $0x0  }
0x1f: {  	s9 =	smul.u32 $0xF7A, s1;
	s8 =	simm.s32 @!p0 $0x1BF5;
	p2 =	por !p2, p0  }
0x20: {  	[sflag:s8] =	ssyncset.s32 @!p0 $0xFFFFF086;
	s6 =	sadd.s32 @!p0 s3, s7;
	s7 =	simm.s32 @!p0 $0x108  }
0x21: {  	s3 =	sadd.s32 s3, s9;
	s6 =	sadd.s32 @!p0 $0x88, s6;
	s7 =	simm.s32 @p2 $0x1082  }
0x22: {  	[simem:s7], [sflag:s8] =	dma.local @!p0 [hbm:s6], $0xF7A  }
0x23: {  	s9 =	sor.u32 $0xD0000000, s2;
	s6 =	simm.s32 $0x108;
	_ =	swait.ge @!p0 [sflag:s8], $0x0  }
0x24: {  	s3 =	sadd.s32 $0x88, s3;
	s6 =	simm.s32 @!p1 $0x1082;
	[sflag:s4] =	ssyncset.s32 $0xFFFFF086  }
0x25: {  	[simem:s6], [sflag:s4] =	dma.local [hbm:s3], $0xF7A  }
0x26: {  	[smem:$0x3F9C] =	sst s1;
	(tag) =	ssettag s2;
	_ =	strace s9  }
0x27: {  	s1 =	sld [smem:$0x3FAC]  }
0x28: {  	s2 =	sld [smem:$0x3FAD]  }
0x29: {  	s4 =	sld [smem:$0x3FAF]  }
0x2a: {  	p0 =	seq.s32 s5, $0x0;
	s5 =	sld [smem:$0x3FB0]  }
0x2b: {  	s6 =	sld [smem:$0x3FB1]  }
0x2c: {  	s7 =	sld [smem:$0x3FB2]  }
0x2d: {  	s3 =	simm.s32 $0x108;
	s8 =	sld [smem:$0x3FB3]  }
0x2e: {  	s3 =	simm.s32 @!p0 $0x1082;
	s9 =	sld [smem:$0x3FB4]  }
0x2f: {  	lr =	sadd.s32 s0, s3;
	s0 =	sld [smem:$0x3FAB]  }
0x30: {  	s3 =	sld [smem:$0x3FAE]  }
0x31: {  	[smem:$0x3FB7] =	sst s10  }
0x32: {  	s10 =	sld [smem:$0x3FB5];
	_ =	sdelay $0x3  }
0x33: {  	p0 =	seq.s32 s10, $0x1;
	s10 =	sld [smem:$0x3FB7];
	_ =	sdelay $0x3  }
0x34: {  	[smem:$0x3FB7] =	sst s10  }
0x35: {  	s10 =	sld [smem:$0x3FB6];
	_ =	sdelay $0x3  }
0x36: {  	p1 =	seq.s32 s10, $0x1;
	s10 =	sld [smem:$0x3FB7];
	_ =	sdelay $0x3  }
0x37: {  	[smem:$0x3FB7] =	sst s10  }
0x38: {  	s10 =	sld [smem:$0x3FB8]  }
0x39: {  	_ = 	snop;
	(pc) =	sbr.ind lr, $3  }
0x3a: {  	_ = 	snop  }
0x3b: {  	_ = 	snop  }
0x3c: {  	p2 =	seq.s32 s10, $0x1;
	s10 =	sld [smem:$0x3FB7]  }
0x3d: {  	_ =	shalt  }
0x3e: {  	_ =	shalt  }
0x3f: {  	_ =	shalt  }
0x40: {  	_ =	shalt  }
0x41: {  	_ =	shalt  }
0x42: {  	_ =	shalt  }
0x43: {  	_ =	shalt  }
0x44: {  	_ =	shalt  }
0x45: {  	_ =	shalt  }
0x46: {  	_ =	shalt  }
0x47: {  	_ =	shalt  }
0x48: {  	_ =	shalt  }
0x49: {  	_ =	shalt  }
0x4a: {  	_ =	shalt  }
0x4b: {  	_ =	shalt  }
0x4c: {  	_ =	shalt  }
0x4d: {  	_ =	shalt  }
0x4e: {  	_ =	shalt  }
0x4f: {  	_ =	shalt  }
0x50: {  	_ =	shalt  }
0x51: {  	_ =	shalt  }
0x52: {  	_ =	shalt  }
0x53: {  	_ =	shalt  }
0x54: {  	_ =	shalt  }
0x55: {  	_ =	shalt  }
0x56: {  	_ =	shalt  }
0x57: {  	_ =	shalt  }
0x58: {  	_ =	shalt  }
0x59: {  	_ =	shalt  }
0x5a: {  	_ =	shalt  }
0x5b: {  	_ =	shalt  }
0x5c: {  	_ =	shalt  }
0x5d: {  	_ =	shalt  }
0x5e: {  	_ =	shalt  }
0x5f: {  	_ =	shalt  }
0x60: {  	_ =	shalt  }
0x61: {  	_ =	shalt  }
0x62: {  	_ =	shalt  }
0x63: {  	_ =	shalt  }
0x64: {  	_ =	shalt  }
0x65: {  	_ =	shalt  }
0x66: {  	_ =	shalt  }
0x67: {  	_ =	shalt  }
0x68: {  	_ =	shalt  }
0x69: {  	_ =	shalt  }
0x6a: {  	_ =	shalt  }
0x6b: {  	_ =	shalt  }
0x6c: {  	_ =	shalt  }
0x6d: {  	_ =	shalt  }
0x6e: {  	_ =	shalt  }
0x6f: {  	_ =	shalt  }
0x70: {  	_ =	shalt  }
0x71: {  	_ =	shalt  }
0x72: {  	_ =	shalt  }
0x73: {  	_ =	shalt  }
0x74: {  	_ =	shalt  }
0x75: {  	_ =	shalt  }
0x76: {  	_ =	shalt  }
0x77: {  	_ =	shalt  }
0x78: {  	_ =	shalt  }
0x79: {  	_ =	shalt  }
0x7a: {  	_ =	shalt  }
0x7b: {  	_ =	shalt  }
0x7c: {  	_ =	shalt  }
0x7d: {  	_ =	shalt  }
0x7e: {  	_ =	shalt  }
0x7f: {  	_ =	shalt  }
0x80: {  	_ =	shalt  }
0x81: {  	_ =	shalt  }
0x82: {  	_ =	shalt  }
0x83: {  	_ =	shalt  }
0x84: {  	_ =	shalt  }
0x85: {  	_ =	shalt  }
0x86: {  	_ =	shalt  }
0x87: {  	_ =	shalt  }
.Lfunc_end0:
.L_simem_size_0:
called_computation_lowered:
.L_overlay_start_0:
0x88: {  	s2 =	sld [smem:$0x3FD9]  }
0x89: {  	s3 =	sld [smem:$0x3FFE];
	_ =	sdelay $0x1  }
0x8a: {  	s1 =	srdreg.scid  }
0x8b: {  	s0 =	sand.u32 $0x1, s1  }
0x8c: {  	s16 =	sshll.u32 s0, $0xA;
	s2 =	sadd.s32 s3, s2  }
0x8d: {  	s2 =	sadd.s32 s2, s16  }
0x8e: {  	[smem:$0x3FC3] =	sst s2  }
0x8f: {  	_ = 	snop  }
0x90: {  	(tm) =	ssettm $0x1  }
0x91: {  	s17 =	sld [smem:$0x3FFB];
	_ =	sdelay $0x3  }
0x92: {  	_ =	strace s17  }
0x93: {  	s2 =	sld [smem:$0x3FFC];
	_ =	sdelay $0x3  }
0x94: {  	_ =	strace s2  }
0x95: {  	s2 =	sld [smem:$0x3FFD];
	_ =	sdelay $0x3  }
0x96: {  	_ =	strace s2  }
0x97: {  	_ =	strace $0x8FFFFFFF  }
0x98: {  	s18 =	sld [smem:$0x3FDB];
	_ =	sdelay $0x1  }
0x99: {  	s19 =	simm.s32 $_scs_section_size  }
0x9a: {  	s4 =	simm.s32 $_size__tile_overlayer_lowered;
	s5 =	simm.s32 $_tile_overlayer_lowered  }
0x9b: {  	s22 =	simm.s32 $0x1BFF;
	s21 =	sshll.u32 s5, $0x1;
	s2 =	sadd.s32 s19, s18  }
0x9c: {  	s6 =	simm.s32 $0x0;
	s20 =	sshll.u32 s4, $0x1;
	s4 =	sadd.s32 s21, s2  }
0x9d: {  	[timem:s6], [sflag:s22] =	dma.local [hbm:s4], s20  }
0x9e: {  	_ =	swait.ge [sflag:s22], s20  }
0x9f: {  	s3 =	ssub.s32 $0x0, s20;
	[sflag:s22] =	ssyncset.done $0x0  }
0xa0: {  	[sflag:s22] =	ssyncadd.s32 s3;
	_ =	sdelay $0x1  }
0xa1: {  	s23 =	simm.s32 $0x1B8B  }
0xa2: {  	_ =	swait.ge [sflag:s23], $0x1  }
0xa3: {  	[sflag:s23] =	ssyncset.done $0x0  }
0xa4: {  	s25 =	simm.s32 $0x1B8E;
	s24 =	sld [smem:$0x3FFE];
	[sflag:s23] =	ssyncadd.s32 $0xFFFFFFFF  }
0xa5: {  	s26 =	simm.s32 $execute0_lowered;
	[smem:$0x3FD2] =	sst s25  }
0xa6: {  	s4 =	sshll.u32 s26, $0x1;
	_ =	strace $0x80000046;
	[dreg:$0x1] =	wrdreg $0xFFFFFFFF  }
0xa7: {  	s28 =	simm.s32 $_size_execute0_lowered;
	s2 =	sadd.s32 s2, s4;
	[dreg:$0x0] =	wrdreg $0x0  }
0xa8: {  	s4 =	sshll.u32 s28, $0x1;
	[dreg:$0x2] =	wrdreg s2  }
0xa9: {  	[dreg:$0x3] =	wrdreg s4  }
0xaa: {  	[dreg:$0x4] =	wrdreg $0xC0  }
0xab: {  	_ =	task [dreg:s6], $0x5FFFF  }
0xac: {  	[dreg:$0x1] =	wrdreg $0xFFFFFFFF  }
0xad: {  	[dreg:$0x0] =	wrdreg $0x60  }
0xae: {  	[dreg:$0x2] =	wrdreg s24  }
0xaf: {  	[dreg:$0x3] =	wrdreg $0x9  }
0xb0: {  	_ =	task.clear_ibuf [dreg:s6], $0x4FFFF;
	_ =	strace $0x90000046  }
0xb1: {  	s29 =	simm.s32 $0x9;
	_ =	strace $0x80000048  }
0xb2: {  	_ =	swait.ge [sflag:s29], $0x1  }
0xb3: {  	[sflag:s29] =	ssyncadd.s32 $0xFFFFFFFF  }
0xb4: {  	_ =	strace $0x90000048  }
0xb5: {  	_ =	sfence  }
0xb6: {  	s30 =	sld [smem:$0x0];
	_ =	sdelay $0x2  }
0xb7: {  	s31 =	sshll.u32 s1, $0xD;
	s1 =	sshrl.u32 s1, $0x2  }
0xb8: {  	s3 =	sand.u32 $0x4000, s31;
	s1 =	sadd.s32 s1, s30  }
0xb9: {  	s0 =	sor.u32 s3, s0;
	s1 =	sshll.u32 s1, $0x11  }
0xba: {  	s0 =	sor.u32 s1, s0  }
0xbb: {  	s0 =	sadd.s32 $0x8F2B, s0  }
0xbc: {  	[sflag:s0] =	ssyncadd.remote.s32 $0x1  }
0xbd: {  	_ =	sfence.sel $0xFFFF  }
0xbe: {  	[dreg:$0x0] =	wrdreg $0xFFFFFFFF;
	(pc) =	sbr.abs _section_cstart, $3  }
0xbf: {  	[dreg:$0x1] =	wrdreg $0xFFFFFFFF  }
0xc0: {  	_ =	task.clear_ibuf [dreg:s6], $0x2FFFF;
	_ =	strace $0x9FFFFFFF  }
0xc1: {  	(tm) =	ssettm $0x7FFFFFFF  }
tec
execute0_lowered:
.L_overlay_start_1:
0x0: {  	(tag) =	ssettag $0x1  }
0x1: {  	s1 =	srdreg.scid  }
0x2: {  	s0 =	stileid.u32;
	s11 =	sand.u32 $0x1, s1  }
0x3: {  	s31 =	sshll.u32 s0, $0xA;
	s2 =	sshll.u32 s11, $0x9  }
0x4: {  	s7 =	rddreg [dreg:$0x0];
	s5 =	sor.u32 s2, s31  }
0x5: {  	s1 =	rddreg [dreg:$0x1];
	s2 =	simm.s32 $0x0;
	s3 =	sshll.u32 s5, $0x1  }
0x6: {  	[smem:$0x7FF] =	sst s2;
	s3 =	sadd.s32 s3, s7  }
0x7: {  	_ =	strace $0x80000047;
	s4 =	sadd.s32 $0x80400, s3;
	s3 =	simm.s32 $0x1  }
0x8: {  	[tilespmem:s2], [sflag:$0x1] =	stream.linear.gather [hbm4b:s4+s2], $0x2000, $0x38;
	[tilespmem:$0x2200] =	vst v63  }
0x9: {  	s5 =	sshrl.u32 s5, $0x3;
	_ =	swait.ge [sflag:s3], $0x2000  }
0xa: {  	s5 =	sadd.s32 s5, s7;
	[sflag:s3] =	ssyncset.done $0x0  }
0xb: {  	s6 =	simm.s32 $0x2000;
	s5 =	sadd.s32 $0x400, s5;
	[sflag:s3] =	ssyncadd.s32 $0xFFFFE000  }
0xc: {  	[tilespmem:s6], [sflag:$0x1] =	stream.linear.gather [hbm4b:s5+s2], $0x200, $0x38;
	[tilespmem:$0x2200] =	vst v63  }
0xd: {  	_ =	swait.ge [sflag:s3], $0x200  }
0xe: {  	[sflag:s3] =	ssyncset.done $0x0  }
0xf: {  	s8 =	simm.s32 $0x80;
	s7 =	sadd.s32 $0xC00, s7;
	[sflag:s3] =	ssyncadd.s32 $0xFFFFFE00  }
0x10: {  	[hbm4b:s7+s8] =	stream.indirect.scatter [tilespmem:s2], [sflag:$0x1], $0x10, s6, s8, $0xb8;
	[tilespmem:$0x2200] =	vst v63  }
0x11: {  	_ =	swait.ge [sflag:s3], $0x800  }
0x12: {  	s9 =	simm.s32 $0x2080;
	[sflag:s3] =	ssyncset.done $0x0  }
0x13: {  	s10 =	simm.s32 $0x800;
	s13 =	ssub.s32 $0x2, s11;
	[sflag:s3] =	ssyncadd.s32 $0xFFFFF800  }
0x14: {  	[hbm4b:s7+s8] =	stream.indirect.scatter [tilespmem:s10], [sflag:$0x1], $0x10, s9, s8, $0xb8;
	[tilespmem:$0x2200] =	vst v63  }
0x15: {  	s14 =	sshrl.u32 s13, $0x1;
	_ =	swait.ge [sflag:s3], $0x800  }
0x16: {  	s12 =	simm.s32 $0x1000;
	s13 =	ssub.s32 s13, s14;
	[sflag:s3] =	ssyncset.done $0x0  }
0x17: {  	s11 =	simm.s32 $0x2100;
	s15 =	smax.u32 s13, $0x1;
	[sflag:s3] =	ssyncadd.s32 $0xFFFFF800  }
0x18: {  	[hbm4b:s7+s8] =	stream.indirect.scatter [tilespmem:s12], [sflag:$0x1], $0x10, s11, s8, $0xb8;
	[tilespmem:$0x2200] =	vst v63  }
0x19: {  	p0 =	sne.s32 s15, $0x1;
	_ =	swait.ge [sflag:s3], $0x800  }
.Ltmp0:
0x1a: {  	[sflag:s3] =	ssyncset.done $0x0;
	(pc) =	sbr.rel @!p0 .LBB2_2-.Ltmp0, $4  }
0x1b: {  	s14 =	simm.s32 $0x1800;
	s13 =	simm.s32 $0x2180;
	[sflag:s3] =	ssyncadd.s32 $0xFFFFF800  }
0x1c: {  	[hbm4b:s7+s8] =	stream.indirect.scatter [tilespmem:s14], [sflag:$0x1], $0x10, s13, s8, $0xb8;
	[tilespmem:$0x2200] =	vst v63  }
0x1d: {  	_ =	swait.ge [sflag:s3], $0x800  }
0x1e: {  	s15 =	sadd.s32 $0xFFFFFFFF, s15;
	[sflag:s3] =	ssyncset.done $0x0  }
.LBB2_1:
0x1f: {  	p0 =	sne.s32 s15, $0x1;
	s15 =	sadd.s32 $0xFFFFFFFF, s15;
	[sflag:s3] =	ssyncadd.s32 $0xFFFFF800  }
0x20: {  	[tilespmem:s2], [sflag:$0x1] =	stream.linear.gather [hbm4b:s4+s2], $0x2000, $0x38;
	[tilespmem:$0x2200] =	vst v63  }
0x21: {  	_ =	swait.ge [sflag:s3], $0x2000  }
0x22: {  	[sflag:s3] =	ssyncset.done $0x0  }
0x23: {  	[sflag:s3] =	ssyncadd.s32 $0xFFFFE000  }
0x24: {  	[tilespmem:s6], [sflag:$0x1] =	stream.linear.gather [hbm4b:s5+s2], $0x200, $0x38;
	[tilespmem:$0x2200] =	vst v63  }
0x25: {  	_ =	swait.ge [sflag:s3], $0x200  }
0x26: {  	[sflag:s3] =	ssyncset.done $0x0  }
0x27: {  	[sflag:s3] =	ssyncadd.s32 $0xFFFFFE00  }
0x28: {  	[hbm4b:s7+s8] =	stream.indirect.scatter [tilespmem:s2], [sflag:$0x1], $0x10, s6, s8, $0xb8;
	[tilespmem:$0x2200] =	vst v63  }
0x29: {  	_ =	swait.ge [sflag:s3], $0x800  }
0x2a: {  	[sflag:s3] =	ssyncset.done $0x0  }
0x2b: {  	[sflag:s3] =	ssyncadd.s32 $0xFFFFF800  }
0x2c: {  	[hbm4b:s7+s8] =	stream.indirect.scatter [tilespmem:s10], [sflag:$0x1], $0x10, s9, s8, $0xb8;
	[tilespmem:$0x2200] =	vst v63  }
0x2d: {  	_ =	swait.ge [sflag:s3], $0x800  }
0x2e: {  	[sflag:s3] =	ssyncset.done $0x0  }
0x2f: {  	[sflag:s3] =	ssyncadd.s32 $0xFFFFF800  }
0x30: {  	[hbm4b:s7+s8] =	stream.indirect.scatter [tilespmem:s12], [sflag:$0x1], $0x10, s11, s8, $0xb8;
	[tilespmem:$0x2200] =	vst v63  }
0x31: {  	_ =	swait.ge [sflag:s3], $0x800  }
.Ltmp1:
0x32: {  	[sflag:s3] =	ssyncset.done $0x0;
	(pc) =	sbr.rel @p0 .LBB2_1-.Ltmp1, $4  }
0x33: {  	[sflag:s3] =	ssyncadd.s32 $0xFFFFF800  }
0x34: {  	[hbm4b:s7+s8] =	stream.indirect.scatter [tilespmem:s14], [sflag:$0x1], $0x10, s13, s8, $0xb8;
	[tilespmem:$0x2200] =	vst v63  }
0x35: {  	_ =	swait.ge [sflag:s3], $0x800  }
0x36: {  	[sflag:s3] =	ssyncset.done $0x0  }
.LBB2_2:
0x37: {  	[sflag:s3] =	ssyncadd.s32 $0xFFFFF800  }
0x38: {  	_ =	sfence.sel $0x180000  }
0x39: {  	[bflag:$0x0] =	sbarrier.arrive $0xFFFF  }
0x3a: {  	p0 =	sne.s32 s0, $0x0;
	_ =	strace $0x90000047  }
0x3b: {  	s0 =	sadd.s32 @!p0 $0x100000, s1;
	[bflag:$0x2] =	sbarrier.arrive $0xFFFF  }
0x3c: {  	[sflag:s0] =	ssyncadd.tile.s32 @!p0 $0x1;
	_ =	shalt  }
.Lfunc_end2:
_tile_overlayer_lowered:
.L_overlay_start_2:
0x3d: {  	(tag) =	ssettag $0x2  }
0x3e: {  	s0 =	rddreg [dreg:$0x0];
	s2 =	stileid.u32  }
0x3f: {  	s1 =	rddreg [dreg:$0x1];
	p0 =	sne.s32 s2, $0x0  }
0x40: {  	s3 =	rddreg [dreg:$0x2];
	[bflag:$0x3] =	sbarrier.arrive $0xFFFF;
	s2 =	simm.s32 @!p0 $0x1C01  }
0x41: {  	[timem:s3], [sflag:s2] =	dma.local @!p0 [hbm:s0], s1  }
0x42: {  	s0 =	simm.s32 @!p0 $0x1  }
0x43: {  	_ =	swait.ge @!p0 [sflag:s0], s1  }
0x44: {  	s1 =	ssub.s32 @!p0 $0x0, s1;
	[sflag:s0] =	ssyncset.done @!p0 $0x0  }
0x45: {  	[sflag:s0] =	ssyncadd.s32 @!p0 s1  }
0x46: {  	[bflag:$0x3] =	sbarrier.arrive $0xFFFF  }
0x47: {  	_ =	shalt  }

</sc_bundles>
